<compile_context>
chip_gen: v7x
topology: tpu7x:2x2x1
jax: 0.10.2.dev20260603
libtpu: 0.0.44.dev20260713+nightly
codegen_flags: <defaults>
</compile_context>

<pallas_src>
import functools

import jax
import jax.numpy as jnp
from jax import lax
from jax.experimental import pallas as pl
from jax.experimental.pallas import tpu as pltpu
from jax.experimental.pallas import tpu_sc as plsc

TOTAL_TOKENS = 204800
EMBED_DIM = 128

_NC = 2
_NS = 16
_NW = _NC * _NS
_PER_W = TOTAL_TOKENS // _NW
_CHUNK = 128
_NCHUNK = _PER_W // _CHUNK

_mesh = plsc.VectorSubcoreMesh(core_axis_name="c", subcore_axis_name="s")


_NBUF = 5
_HALF = _CHUNK // 2
_NPAIR = _NCHUNK // _NBUF


@functools.partial(
    pl.kernel,
    out_type=jax.ShapeDtypeStruct((TOTAL_TOKENS, EMBED_DIM), jnp.float32),
    mesh=_mesh,
    scratch_types=[
        pltpu.VMEM((_PER_W,), jnp.int32),
        pltpu.VMEM((_NBUF, _CHUNK, EMBED_DIM), jnp.float32),
        pltpu.SemaphoreType.DMA((_NBUF,)),
        pltpu.SemaphoreType.DMA((_NBUF,)),
        pltpu.SemaphoreType.DMA((_NBUF,)),
    ],
)
def _emb_lookup(data_hbm, w_hbm, out_hbm, idx_v, rows_v, gsem0, gsem1, osem):
    wid = lax.axis_index("s") * _NC + lax.axis_index("c")
    base = wid * _PER_W

    pltpu.sync_copy(data_hbm.at[pl.ds(base, _PER_W)], idx_v)

    def pair(p, _):
        for b in range(_NBUF):
            j = p * _NBUF + b

            @pl.when(p > 0)
            def _drain(b=b):
                pltpu.make_async_copy(
                    rows_v.at[b], out_hbm.at[pl.ds(0, _CHUNK)], osem.at[b]
                ).wait()

            for h in range(2):
                pltpu.make_async_copy(
                    w_hbm.at[idx_v.at[pl.ds(j * _CHUNK + h * _HALF, _HALF)]],
                    rows_v.at[b, pl.ds(h * _HALF, _HALF)],
                    (gsem0 if h == 0 else gsem1).at[b],
                ).start()

        for b in range(_NBUF):
            j = p * _NBUF + b
            for h in range(2):
                pltpu.make_async_copy(
                    w_hbm.at[idx_v.at[pl.ds(j * _CHUNK + h * _HALF, _HALF)]],
                    rows_v.at[b, pl.ds(h * _HALF, _HALF)],
                    (gsem0 if h == 0 else gsem1).at[b],
                ).wait()
                pltpu.make_async_copy(
                    rows_v.at[b, pl.ds(h * _HALF, _HALF)],
                    out_hbm.at[pl.ds(base + j * _CHUNK + h * _HALF, _HALF)],
                    osem.at[b],
                ).start()
        return 0

    lax.fori_loop(0, _NPAIR, pair, 0)

    for b in range(_NBUF):
        pltpu.make_async_copy(
            rows_v.at[b], out_hbm.at[pl.ds(0, _CHUNK)], osem.at[b]
        ).wait()


def kernel(data, batch_sizes, W):
    del batch_sizes
    return _emb_lookup(data.astype(jnp.int32), W)

# --- scband reference (transcript-rebuilt; emitter-appended) ---
"""Pipeline reference for scband-embbeding-for-packed-sequence-layer-11020886081646 (READ-ONLY COPY).

The authoritative reference and input builder live on the scoring server;
editing this copy changes nothing except your own understanding.
"""

import jax, jax.numpy as jnp
import numpy as np

VOCAB = 100000
EMBED_DIM = 128
TOTAL_TOKENS = 204800
NUM_STEPS = 50


def setup_inputs(seed: int = 0) -> dict:
    key = jax.random.key(seed)
    k1, k2, k3 = jax.random.split(key, 3)
    data = jax.random.randint(k1, (TOTAL_TOKENS,), 0, VOCAB, dtype=jnp.int64 if jax.config.read('jax_enable_x64') else jnp.int32)
    batch_sizes = jax.random.randint(k2, (NUM_STEPS,), 0, 4096, dtype=jnp.int32)
    # Embedding table initialized like torch.nn.Embedding (N(0,1))
    W = jax.random.normal(k3, (VOCAB, EMBED_DIM), dtype=jnp.float32)
    return {"data": data, "batch_sizes": batch_sizes, "W": W}


def reference(data, batch_sizes, W):
    # PackedSequence embedding: apply embedding pointwise to the flat .data tensor.
    # batch_sizes / sorted_indices / unsorted_indices are passed through unchanged
    # in the original module; the only computation is the gather.
    emb = jnp.take(W, data, axis=0)
    return emb

if __name__ == "__main__":
    import jax
    _d = setup_inputs()
    print(jax.jit(kernel)(*tuple(_d.values())))

</pallas_src>

<mosaic_0001>
#map = affine_map<(d0, d1) -> (0)>
#map1 = affine_map<(d0, d1) -> (0, 0)>
module attributes {stable_mosaic.version = 14 : i64} {
  func.func @_emb_lookup(%arg0: i32, %arg1: i32, %arg2: memref<204800xi32, #tpu.memory_space<hbm>>, %arg3: memref<100000x128xf32, #tpu.memory_space<hbm>>, %arg4: memref<204800x128xf32, #tpu.memory_space<hbm>>, %arg5: memref<6400xi32, #tpu.memory_space<vmem>>, %arg6: memref<5x128x128xf32, #tpu.memory_space<vmem>>, %arg7: memref<5x!tpu.dma_semaphore, #tpu.memory_space<semaphore_mem>>, %arg8: memref<5x!tpu.dma_semaphore, #tpu.memory_space<semaphore_mem>>, %arg9: memref<5x!tpu.dma_semaphore, #tpu.memory_space<semaphore_mem>>) attributes {dimension_semantics = [#tpu.dimension_semantics<core_parallel>, #tpu.dimension_semantics<subcore_parallel>], iteration_bounds = array<i64: 2, 16>, scalar_prefetch = 0 : i64, scratch_operands = 5 : i64, tpu.core_type = #tpu.core_type<sc_vector_subcore>, window_params = [{transform_indices = #map}, {transform_indices = #map1}, {transform_indices = #map1}]} {
    %mul3A = arith.constant 2 : i32
    %mul3A_0 = arith.muli %arg1, %mul3A : i32
    %add3A = arith.addi %mul3A_0, %arg0 : i32
    %mul3A_1 = arith.constant 6400 : i32
    %mul3A_2 = arith.muli %add3A, %mul3A_1 : i32
    "tpu.region"() ({
      %run_scoped3A = tpu.sem_alloc : memref<!tpu.dma_semaphore, #tpu.memory_space<semaphore_mem>>
      %dma_start3A = tpu.memref_slice %arg2[%mul3A_2] : memref<204800xi32, #tpu.memory_space<hbm>> -> memref<6400xi32, #tpu.memory_space<hbm>>
      %dma_start3A_98 = tpu.memref_slice %arg2[%mul3A_2] : memref<204800xi32, #tpu.memory_space<hbm>> -> memref<6400xi32, #tpu.memory_space<hbm>>
      tpu.enqueue_dma source(%dma_start3A_98 : memref<6400xi32, #tpu.memory_space<hbm>>) target(%arg5 : memref<6400xi32, #tpu.memory_space<vmem>>) target_semaphore(%run_scoped3A : memref<!tpu.dma_semaphore, #tpu.memory_space<semaphore_mem>>)
      %dma_wait3A_99 = tpu.memref_slice %arg2[%mul3A_2] : memref<204800xi32, #tpu.memory_space<hbm>> -> memref<6400xi32, #tpu.memory_space<hbm>>
      %dma_wait3A_100 = tpu.memref_slice %arg2[%mul3A_2] : memref<204800xi32, #tpu.memory_space<hbm>> -> memref<6400xi32, #tpu.memory_space<hbm>>
      tpu.wait_dma2 semaphore(%run_scoped3A : memref<!tpu.dma_semaphore, #tpu.memory_space<semaphore_mem>>) src(%dma_wait3A_100 : memref<6400xi32, #tpu.memory_space<hbm>>) dst(%arg5 : memref<6400xi32, #tpu.memory_space<vmem>>)
      tpu.yield
    }) : () -> ()
    %scan3A = arith.constant 0 : i32
    %scan3A_3 = arith.constant 0 : i32
    %scan3A_4 = arith.constant 10 : i32
    %scan3A_5 = arith.addi %scan3A_3, %scan3A_4 : i32
    %scan3A_6 = arith.constant 1 : i32
    %scan3A_7 = scf.for %scan3A_98 = %scan3A_3 to %scan3A_5 step %scan3A_6 iter_args(%scan3A_99 = %scan3A) -> (i32)  : i32 {
      %mul3A_100 = arith.constant 5 : i32
      %mul3A_101 = arith.muli %scan3A_98, %mul3A_100 : i32
      %add3A_102 = arith.constant 0 : i32
      %add3A_103 = arith.addi %mul3A_101, %add3A_102 : i32
      %gt3A = arith.constant 0 : i32
      %gt3A_104 = arith.cmpi sgt, %scan3A_98, %gt3A : i32
      %convert_element_type3A = arith.extui %gt3A_104 : i1 to i32
      %cond3A = arith.constant 0 : i32
      %cond3A_105 = arith.cmpi ne, %convert_element_type3A, %cond3A : i32
      scf.if %cond3A_105 {
        %dma_wait3A_692 = arith.constant 0 : i32
        %dma_wait3A_693 = arith.constant 0 : i32
        %dma_wait3A_694 = arith.constant 0 : i32
        %dma_wait3A_695 = arith.constant 0 : i32
        %dma_wait3A_696 = tpu.memref_slice %arg6[%dma_wait3A_692, %dma_wait3A_694, %dma_wait3A_695] : memref<5x128x128xf32, #tpu.memory_space<vmem>> -> memref<1x128x128xf32, #tpu.memory_space<vmem>>
        %dma_wait3A_697 = tpu.memref_squeeze %dma_wait3A_696 : memref<1x128x128xf32, #tpu.memory_space<vmem>> -> memref<128x128xf32, #tpu.memory_space<vmem>>
        %dma_wait3A_698 = arith.constant 0 : i32
        %dma_wait3A_699 = arith.constant 0 : i32
        %dma_wait3A_700 = tpu.memref_slice %arg4[%dma_wait3A_698, %dma_wait3A_699] : memref<204800x128xf32, #tpu.memory_space<hbm>> -> memref<128x128xf32, #tpu.memory_space<hbm>>
        %dma_wait3A_701 = tpu.memref_slice %arg9[%dma_wait3A_693] : memref<5x!tpu.dma_semaphore, #tpu.memory_space<semaphore_mem>> -> memref<1x!tpu.dma_semaphore, #tpu.memory_space<semaphore_mem>>
        %dma_wait3A_702 = tpu.memref_squeeze %dma_wait3A_701 : memref<1x!tpu.dma_semaphore, #tpu.memory_space<semaphore_mem>> -> memref<!tpu.dma_semaphore, #tpu.memory_space<semaphore_mem>>
        %dma_wait3A_703 = arith.constant 0 : i32
        %dma_wait3A_704 = arith.constant 0 : i32
        %dma_wait3A_705 = tpu.memref_slice %arg4[%dma_wait3A_703, %dma_wait3A_704] : memref<204800x128xf32, #tpu.memory_space<hbm>> -> memref<128x128xf32, #tpu.memory_space<hbm>>
        %dma_wait3A_706 = arith.constant 0 : i32
        %dma_wait3A_707 = arith.constant 0 : i32
        %dma_wait3A_708 = tpu.memref_slice %arg6[%dma_wait3A_692, %dma_wait3A_706, %dma_wait3A_707] : memref<5x128x128xf32, #tpu.memory_space<vmem>> -> memref<1x128x128xf32, #tpu.memory_space<vmem>>
        %dma_wait3A_709 = tpu.memref_squeeze %dma_wait3A_708 : memref<1x128x128xf32, #tpu.memory_space<vmem>> -> memref<128x128xf32, #tpu.memory_space<vmem>>
        tpu.wait_dma2 semaphore(%dma_wait3A_702 : memref<!tpu.dma_semaphore, #tpu.memory_space<semaphore_mem>>) src(%dma_wait3A_709 : memref<128x128xf32, #tpu.memory_space<vmem>>) dst(%dma_wait3A_705 : memref<128x128xf32, #tpu.memory_space<hbm>>)
      } else {
      }
      %mul3A_106 = arith.constant 128 : i32
      %mul3A_107 = arith.muli %add3A_103, %mul3A_106 : i32
      %add3A_108 = arith.constant 0 : i32
      %add3A_109 = arith.addi %mul3A_107, %add3A_108 : i32
      %dma_start3A = arith.constant 0 : i32
      %dma_start3A_110 = arith.constant 0 : i32
      %dma_start3A_111 = arith.constant 0 : i32
      %dma_start3A_112 = arith.constant 0 : i32
      %dma_start3A_113 = tpu.memref_slice %arg6[%dma_start3A, %dma_start3A_111, %dma_start3A_112] : memref<5x128x128xf32, #tpu.memory_space<vmem>> -> memref<1x64x128xf32, #tpu.memory_space<vmem>>
      %dma_start3A_114 = tpu.memref_squeeze %dma_start3A_113 : memref<1x64x128xf32, #tpu.memory_space<vmem>> -> memref<64x128xf32, #tpu.memory_space<vmem>>
      %dma_start3A_115 = tpu.memref_slice %arg5[%add3A_109] : memref<6400xi32, #tpu.memory_space<vmem>> -> memref<64xi32, #tpu.memory_space<vmem>>
      %dma_start3A_116 = arith.constant 0 : i32
      %dma_start3A_117 = arith.constant 0 : i32
      %dma_start3A_118 = tpu.memref_slice %arg3[%dma_start3A_116, %dma_start3A_117] : memref<100000x128xf32, #tpu.memory_space<hbm>> -> memref<100000x128xf32, #tpu.memory_space<hbm>>
      %dma_start3A_119 = tpu.memref_slice %arg7[%dma_start3A_110] : memref<5x!tpu.dma_semaphore, #tpu.memory_space<semaphore_mem>> -> memref<1x!tpu.dma_semaphore, #tpu.memory_space<semaphore_mem>>
      %dma_start3A_120 = tpu.memref_squeeze %dma_start3A_119 : memref<1x!tpu.dma_semaphore, #tpu.memory_space<semaphore_mem>> -> memref<!tpu.dma_semaphore, #tpu.memory_space<semaphore_mem>>
      tpu.enqueue_indirect_dma source(%dma_start3A_118 : memref<100000x128xf32, #tpu.memory_space<hbm>>) target(%dma_start3A_114 : memref<64x128xf32, #tpu.memory_space<vmem>>) offsets(%dma_start3A_115 : memref<64xi32, #tpu.memory_space<vmem>>) semaphore(%dma_start3A_120 : memref<!tpu.dma_semaphore, #tpu.memory_space<semaphore_mem>>)
      %mul3A_121 = arith.constant 128 : i32
      %mul3A_122 = arith.muli %add3A_103, %mul3A_121 : i32
      %add3A_123 = arith.constant 64 : i32
      %add3A_124 = arith.addi %mul3A_122, %add3A_123 : i32
      %dma_start3A_125 = arith.constant 0 : i32
      %dma_start3A_126 = arith.constant 0 : i32
      %dma_start3A_127 = arith.constant 64 : i32
      %dma_start3A_128 = arith.constant 0 : i32
      %dma_start3A_129 = tpu.memref_slice %arg6[%dma_start3A_125, %dma_start3A_127, %dma_start3A_128] : memref<5x128x128xf32, #tpu.memory_space<vmem>> -> memref<1x64x128xf32, #tpu.memory_space<vmem>>
      %dma_start3A_130 = tpu.memref_squeeze %dma_start3A_129 : memref<1x64x128xf32, #tpu.memory_space<vmem>> -> memref<64x128xf32, #tpu.memory_space<vmem>>
      %dma_start3A_131 = tpu.memref_slice %arg5[%add3A_124] : memref<6400xi32, #tpu.memory_space<vmem>> -> memref<64xi32, #tpu.memory_space<vmem>>
      %dma_start3A_132 = arith.constant 0 : i32
      %dma_start3A_133 = arith.constant 0 : i32
      %dma_start3A_134 = tpu.memref_slice %arg3[%dma_start3A_132, %dma_start3A_133] : memref<100000x128xf32, #tpu.memory_space<hbm>> -> memref<100000x128xf32, #tpu.memory_space<hbm>>
      %dma_start3A_135 = tpu.memref_slice %arg8[%dma_start3A_126] : memref<5x!tpu.dma_semaphore, #tpu.memory_space<semaphore_mem>> -> memref<1x!tpu.dma_semaphore, #tpu.memory_space<semaphore_mem>>
      %dma_start3A_136 = tpu.memref_squeeze %dma_start3A_135 : memref<1x!tpu.dma_semaphore, #tpu.memory_space<semaphore_mem>> -> memref<!tpu.dma_semaphore, #tpu.memory_space<semaphore_mem>>
      tpu.enqueue_indirect_dma source(%dma_start3A_134 : memref<100000x128xf32, #tpu.memory_space<hbm>>) target(%dma_start3A_130 : memref<64x128xf32, #tpu.memory_space<vmem>>) offsets(%dma_start3A_131 : memref<64xi32, #tpu.memory_space<vmem>>) semaphore(%dma_start3A_136 : memref<!tpu.dma_semaphore, #tpu.memory_space<semaphore_mem>>)
      %mul3A_137 = arith.constant 5 : i32
      %mul3A_138 = arith.muli %scan3A_98, %mul3A_137 : i32
      %add3A_139 = arith.constant 1 : i32
      %add3A_140 = arith.addi %mul3A_138, %add3A_139 : i32
      %gt3A_141 = arith.constant 0 : i32
      %gt3A_142 = arith.cmpi sgt, %scan3A_98, %gt3A_141 : i32
      %convert_element_type3A_143 = arith.extui %gt3A_142 : i1 to i32
      %cond3A_144 = arith.constant 0 : i32
      %cond3A_145 = arith.cmpi ne, %convert_element_type3A_143, %cond3A_144 : i32
      scf.if %cond3A_145 {
        %dma_wait3A_692 = arith.constant 1 : i32
        %dma_wait3A_693 = arith.constant 1 : i32
        %dma_wait3A_694 = arith.constant 0 : i32
        %dma_wait3A_695 = arith.constant 0 : i32
        %dma_wait3A_696 = tpu.memref_slice %arg6[%dma_wait3A_692, %dma_wait3A_694, %dma_wait3A_695] : memref<5x128x128xf32, #tpu.memory_space<vmem>> -> memref<1x128x128xf32, #tpu.memory_space<vmem>>
        %dma_wait3A_697 = tpu.memref_squeeze %dma_wait3A_696 : memref<1x128x128xf32, #tpu.memory_space<vmem>> -> memref<128x128xf32, #tpu.memory_space<vmem>>
        %dma_wait3A_698 = arith.constant 0 : i32
        %dma_wait3A_699 = arith.constant 0 : i32
        %dma_wait3A_700 = tpu.memref_slice %arg4[%dma_wait3A_698, %dma_wait3A_699] : memref<204800x128xf32, #tpu.memory_space<hbm>> -> memref<128x128xf32, #tpu.memory_space<hbm>>
        %dma_wait3A_701 = tpu.memref_slice %arg9[%dma_wait3A_693] : memref<5x!tpu.dma_semaphore, #tpu.memory_space<semaphore_mem>> -> memref<1x!tpu.dma_semaphore, #tpu.memory_space<semaphore_mem>>
        %dma_wait3A_702 = tpu.memref_squeeze %dma_wait3A_701 : memref<1x!tpu.dma_semaphore, #tpu.memory_space<semaphore_mem>> -> memref<!tpu.dma_semaphore, #tpu.memory_space<semaphore_mem>>
        %dma_wait3A_703 = arith.constant 0 : i32
        %dma_wait3A_704 = arith.constant 0 : i32
        %dma_wait3A_705 = tpu.memref_slice %arg4[%dma_wait3A_703, %dma_wait3A_704] : memref<204800x128xf32, #tpu.memory_space<hbm>> -> memref<128x128xf32, #tpu.memory_space<hbm>>
        %dma_wait3A_706 = arith.constant 0 : i32
        %dma_wait3A_707 = arith.constant 0 : i32
        %dma_wait3A_708 = tpu.memref_slice %arg6[%dma_wait3A_692, %dma_wait3A_706, %dma_wait3A_707] : memref<5x128x128xf32, #tpu.memory_space<vmem>> -> memref<1x128x128xf32, #tpu.memory_space<vmem>>
        %dma_wait3A_709 = tpu.memref_squeeze %dma_wait3A_708 : memref<1x128x128xf32, #tpu.memory_space<vmem>> -> memref<128x128xf32, #tpu.memory_space<vmem>>
        tpu.wait_dma2 semaphore(%dma_wait3A_702 : memref<!tpu.dma_semaphore, #tpu.memory_space<semaphore_mem>>) src(%dma_wait3A_709 : memref<128x128xf32, #tpu.memory_space<vmem>>) dst(%dma_wait3A_705 : memref<128x128xf32, #tpu.memory_space<hbm>>)
      } else {
      }
      %mul3A_146 = arith.constant 128 : i32
      %mul3A_147 = arith.muli %add3A_140, %mul3A_146 : i32
      %add3A_148 = arith.constant 0 : i32
      %add3A_149 = arith.addi %mul3A_147, %add3A_148 : i32
      %dma_start3A_150 = arith.constant 1 : i32
      %dma_start3A_151 = arith.constant 1 : i32
      %dma_start3A_152 = arith.constant 0 : i32
      %dma_start3A_153 = arith.constant 0 : i32
      %dma_start3A_154 = tpu.memref_slice %arg6[%dma_start3A_150, %dma_start3A_152, %dma_start3A_153] : memref<5x128x128xf32, #tpu.memory_space<vmem>> -> memref<1x64x128xf32, #tpu.memory_space<vmem>>
      %dma_start3A_155 = tpu.memref_squeeze %dma_start3A_154 : memref<1x64x128xf32, #tpu.memory_space<vmem>> -> memref<64x128xf32, #tpu.memory_space<vmem>>
      %dma_start3A_156 = tpu.memref_slice %arg5[%add3A_149] : memref<6400xi32, #tpu.memory_space<vmem>> -> memref<64xi32, #tpu.memory_space<vmem>>
      %dma_start3A_157 = arith.constant 0 : i32
      %dma_start3A_158 = arith.constant 0 : i32
      %dma_start3A_159 = tpu.memref_slice %arg3[%dma_start3A_157, %dma_start3A_158] : memref<100000x128xf32, #tpu.memory_space<hbm>> -> memref<100000x128xf32, #tpu.memory_space<hbm>>
      %dma_start3A_160 = tpu.memref_slice %arg7[%dma_start3A_151] : memref<5x!tpu.dma_semaphore, #tpu.memory_space<semaphore_mem>> -> memref<1x!tpu.dma_semaphore, #tpu.memory_space<semaphore_mem>>
      %dma_start3A_161 = tpu.memref_squeeze %dma_start3A_160 : memref<1x!tpu.dma_semaphore, #tpu.memory_space<semaphore_mem>> -> memref<!tpu.dma_semaphore, #tpu.memory_space<semaphore_mem>>
      tpu.enqueue_indirect_dma source(%dma_start3A_159 : memref<100000x128xf32, #tpu.memory_space<hbm>>) target(%dma_start3A_155 : memref<64x128xf32, #tpu.memory_space<vmem>>) offsets(%dma_start3A_156 : memref<64xi32, #tpu.memory_space<vmem>>) semaphore(%dma_start3A_161 : memref<!tpu.dma_semaphore, #tpu.memory_space<semaphore_mem>>)
      %mul3A_162 = arith.constant 128 : i32
      %mul3A_163 = arith.muli %add3A_140, %mul3A_162 : i32
      %add3A_164 = arith.constant 64 : i32
      %add3A_165 = arith.addi %mul3A_163, %add3A_164 : i32
      %dma_start3A_166 = arith.constant 1 : i32
      %dma_start3A_167 = arith.constant 1 : i32
      %dma_start3A_168 = arith.constant 64 : i32
      %dma_start3A_169 = arith.constant 0 : i32
      %dma_start3A_170 = tpu.memref_slice %arg6[%dma_start3A_166, %dma_start3A_168, %dma_start3A_169] : memref<5x128x128xf32, #tpu.memory_space<vmem>> -> memref<1x64x128xf32, #tpu.memory_space<vmem>>
      %dma_start3A_171 = tpu.memref_squeeze %dma_start3A_170 : memref<1x64x128xf32, #tpu.memory_space<vmem>> -> memref<64x128xf32, #tpu.memory_space<vmem>>
      %dma_start3A_172 = tpu.memref_slice %arg5[%add3A_165] : memref<6400xi32, #tpu.memory_space<vmem>> -> memref<64xi32, #tpu.memory_space<vmem>>
      %dma_start3A_173 = arith.constant 0 : i32
      %dma_start3A_174 = arith.constant 0 : i32
      %dma_start3A_175 = tpu.memref_slice %arg3[%dma_start3A_173, %dma_start3A_174] : memref<100000x128xf32, #tpu.memory_space<hbm>> -> memref<100000x128xf32, #tpu.memory_space<hbm>>
      %dma_start3A_176 = tpu.memref_slice %arg8[%dma_start3A_167] : memref<5x!tpu.dma_semaphore, #tpu.memory_space<semaphore_mem>> -> memref<1x!tpu.dma_semaphore, #tpu.memory_space<semaphore_mem>>
      %dma_start3A_177 = tpu.memref_squeeze %dma_start3A_176 : memref<1x!tpu.dma_semaphore, #tpu.memory_space<semaphore_mem>> -> memref<!tpu.dma_semaphore, #tpu.memory_space<semaphore_mem>>
      tpu.enqueue_indirect_dma source(%dma_start3A_175 : memref<100000x128xf32, #tpu.memory_space<hbm>>) target(%dma_start3A_171 : memref<64x128xf32, #tpu.memory_space<vmem>>) offsets(%dma_start3A_172 : memref<64xi32, #tpu.memory_space<vmem>>) semaphore(%dma_start3A_177 : memref<!tpu.dma_semaphore, #tpu.memory_space<semaphore_mem>>)
      %mul3A_178 = arith.constant 5 : i32
      %mul3A_179 = arith.muli %scan3A_98, %mul3A_178 : i32
      %add3A_180 = arith.constant 2 : i32
      %add3A_181 = arith.addi %mul3A_179, %add3A_180 : i32
      %gt3A_182 = arith.constant 0 : i32
      %gt3A_183 = arith.cmpi sgt, %scan3A_98, %gt3A_182 : i32
      %convert_element_type3A_184 = arith.extui %gt3A_183 : i1 to i32
      %cond3A_185 = arith.constant 0 : i32
      %cond3A_186 = arith.cmpi ne, %convert_element_type3A_184, %cond3A_185 : i32
      scf.if %cond3A_186 {
        %dma_wait3A_692 = arith.constant 2 : i32
        %dma_wait3A_693 = arith.constant 2 : i32
        %dma_wait3A_694 = arith.constant 0 : i32
        %dma_wait3A_695 = arith.constant 0 : i32
        %dma_wait3A_696 = tpu.memref_slice %arg6[%dma_wait3A_692, %dma_wait3A_694, %dma_wait3A_695] : memref<5x128x128xf32, #tpu.memory_space<vmem>> -> memref<1x128x128xf32, #tpu.memory_space<vmem>>
        %dma_wait3A_697 = tpu.memref_squeeze %dma_wait3A_696 : memref<1x128x128xf32, #tpu.memory_space<vmem>> -> memref<128x128xf32, #tpu.memory_space<vmem>>
        %dma_wait3A_698 = arith.constant 0 : i32
        %dma_wait3A_699 = arith.constant 0 : i32
        %dma_wait3A_700 = tpu.memref_slice %arg4[%dma_wait3A_698, %dma_wait3A_699] : memref<204800x128xf32, #tpu.memory_space<hbm>> -> memref<128x128xf32, #tpu.memory_space<hbm>>
        %dma_wait3A_701 = tpu.memref_slice %arg9[%dma_wait3A_693] : memref<5x!tpu.dma_semaphore, #tpu.memory_space<semaphore_mem>> -> memref<1x!tpu.dma_semaphore, #tpu.memory_space<semaphore_mem>>
        %dma_wait3A_702 = tpu.memref_squeeze %dma_wait3A_701 : memref<1x!tpu.dma_semaphore, #tpu.memory_space<semaphore_mem>> -> memref<!tpu.dma_semaphore, #tpu.memory_space<semaphore_mem>>
        %dma_wait3A_703 = arith.constant 0 : i32
        %dma_wait3A_704 = arith.constant 0 : i32
        %dma_wait3A_705 = tpu.memref_slice %arg4[%dma_wait3A_703, %dma_wait3A_704] : memref<204800x128xf32, #tpu.memory_space<hbm>> -> memref<128x128xf32, #tpu.memory_space<hbm>>
        %dma_wait3A_706 = arith.constant 0 : i32
        %dma_wait3A_707 = arith.constant 0 : i32
        %dma_wait3A_708 = tpu.memref_slice %arg6[%dma_wait3A_692, %dma_wait3A_706, %dma_wait3A_707] : memref<5x128x128xf32, #tpu.memory_space<vmem>> -> memref<1x128x128xf32, #tpu.memory_space<vmem>>
        %dma_wait3A_709 = tpu.memref_squeeze %dma_wait3A_708 : memref<1x128x128xf32, #tpu.memory_space<vmem>> -> memref<128x128xf32, #tpu.memory_space<vmem>>
        tpu.wait_dma2 semaphore(%dma_wait3A_702 : memref<!tpu.dma_semaphore, #tpu.memory_space<semaphore_mem>>) src(%dma_wait3A_709 : memref<128x128xf32, #tpu.memory_space<vmem>>) dst(%dma_wait3A_705 : memref<128x128xf32, #tpu.memory_space<hbm>>)
      } else {
      }
      %mul3A_187 = arith.constant 128 : i32
      %mul3A_188 = arith.muli %add3A_181, %mul3A_187 : i32
      %add3A_189 = arith.constant 0 : i32
      %add3A_190 = arith.addi %mul3A_188, %add3A_189 : i32
      %dma_start3A_191 = arith.constant 2 : i32
      %dma_start3A_192 = arith.constant 2 : i32
      %dma_start3A_193 = arith.constant 0 : i32
      %dma_start3A_194 = arith.constant 0 : i32
      %dma_start3A_195 = tpu.memref_slice %arg6[%dma_start3A_191, %dma_start3A_193, %dma_start3A_194] : memref<5x128x128xf32, #tpu.memory_space<vmem>> -> memref<1x64x128xf32, #tpu.memory_space<vmem>>
      %dma_start3A_196 = tpu.memref_squeeze %dma_start3A_195 : memref<1x64x128xf32, #tpu.memory_space<vmem>> -> memref<64x128xf32, #tpu.memory_space<vmem>>
      %dma_start3A_197 = tpu.memref_slice %arg5[%add3A_190] : memref<6400xi32, #tpu.memory_space<vmem>> -> memref<64xi32, #tpu.memory_space<vmem>>
      %dma_start3A_198 = arith.constant 0 : i32
      %dma_start3A_199 = arith.constant 0 : i32
      %dma_start3A_200 = tpu.memref_slice %arg3[%dma_start3A_198, %dma_start3A_199] : memref<100000x128xf32, #tpu.memory_space<hbm>> -> memref<100000x128xf32, #tpu.memory_space<hbm>>
      %dma_start3A_201 = tpu.memref_slice %arg7[%dma_start3A_192] : memref<5x!tpu.dma_semaphore, #tpu.memory_space<semaphore_mem>> -> memref<1x!tpu.dma_semaphore, #tpu.memory_space<semaphore_mem>>
      %dma_start3A_202 = tpu.memref_squeeze %dma_start3A_201 : memref<1x!tpu.dma_semaphore, #tpu.memory_space<semaphore_mem>> -> memref<!tpu.dma_semaphore, #tpu.memory_space<semaphore_mem>>
      tpu.enqueue_indirect_dma source(%dma_start3A_200 : memref<100000x128xf32, #tpu.memory_space<hbm>>) target(%dma_start3A_196 : memref<64x128xf32, #tpu.memory_space<vmem>>) offsets(%dma_start3A_197 : memref<64xi32, #tpu.memory_space<vmem>>) semaphore(%dma_start3A_202 : memref<!tpu.dma_semaphore, #tpu.memory_space<semaphore_mem>>)
      %mul3A_203 = arith.constant 128 : i32
      %mul3A_204 = arith.muli %add3A_181, %mul3A_203 : i32
      %add3A_205 = arith.constant 64 : i32
      %add3A_206 = arith.addi %mul3A_204, %add3A_205 : i32
      %dma_start3A_207 = arith.constant 2 : i32
      %dma_start3A_208 = arith.constant 2 : i32
      %dma_start3A_209 = arith.constant 64 : i32
      %dma_start3A_210 = arith.constant 0 : i32
      %dma_start3A_211 = tpu.memref_slice %arg6[%dma_start3A_207, %dma_start3A_209, %dma_start3A_210] : memref<5x128x128xf32, #tpu.memory_space<vmem>> -> memref<1x64x128xf32, #tpu.memory_space<vmem>>
      %dma_start3A_212 = tpu.memref_squeeze %dma_start3A_211 : memref<1x64x128xf32, #tpu.memory_space<vmem>> -> memref<64x128xf32, #tpu.memory_space<vmem>>
      %dma_start3A_213 = tpu.memref_slice %arg5[%add3A_206] : memref<6400xi32, #tpu.memory_space<vmem>> -> memref<64xi32, #tpu.memory_space<vmem>>
      %dma_start3A_214 = arith.constant 0 : i32
      %dma_start3A_215 = arith.constant 0 : i32
      %dma_start3A_216 = tpu.memref_slice %arg3[%dma_start3A_214, %dma_start3A_215] : memref<100000x128xf32, #tpu.memory_space<hbm>> -> memref<100000x128xf32, #tpu.memory_space<hbm>>
      %dma_start3A_217 = tpu.memref_slice %arg8[%dma_start3A_208] : memref<5x!tpu.dma_semaphore, #tpu.memory_space<semaphore_mem>> -> memref<1x!tpu.dma_semaphore, #tpu.memory_space<semaphore_mem>>
      %dma_start3A_218 = tpu.memref_squeeze %dma_start3A_217 : memref<1x!tpu.dma_semaphore, #tpu.memory_space<semaphore_mem>> -> memref<!tpu.dma_semaphore, #tpu.memory_space<semaphore_mem>>
      tpu.enqueue_indirect_dma source(%dma_start3A_216 : memref<100000x128xf32, #tpu.memory_space<hbm>>) target(%dma_start3A_212 : memref<64x128xf32, #tpu.memory_space<vmem>>) offsets(%dma_start3A_213 : memref<64xi32, #tpu.memory_space<vmem>>) semaphore(%dma_start3A_218 : memref<!tpu.dma_semaphore, #tpu.memory_space<semaphore_mem>>)
      %mul3A_219 = arith.constant 5 : i32
      %mul3A_220 = arith.muli %scan3A_98, %mul3A_219 : i32
      %add3A_221 = arith.constant 3 : i32
      %add3A_222 = arith.addi %mul3A_220, %add3A_221 : i32
      %gt3A_223 = arith.constant 0 : i32
      %gt3A_224 = arith.cmpi sgt, %scan3A_98, %gt3A_223 : i32
      %convert_element_type3A_225 = arith.extui %gt3A_224 : i1 to i32
      %cond3A_226 = arith.constant 0 : i32
      %cond3A_227 = arith.cmpi ne, %convert_element_type3A_225, %cond3A_226 : i32
      scf.if %cond3A_227 {
        %dma_wait3A_692 = arith.constant 3 : i32
        %dma_wait3A_693 = arith.constant 3 : i32
        %dma_wait3A_694 = arith.constant 0 : i32
        %dma_wait3A_695 = arith.constant 0 : i32
        %dma_wait3A_696 = tpu.memref_slice %arg6[%dma_wait3A_692, %dma_wait3A_694, %dma_wait3A_695] : memref<5x128x128xf32, #tpu.memory_space<vmem>> -> memref<1x128x128xf32, #tpu.memory_space<vmem>>
        %dma_wait3A_697 = tpu.memref_squeeze %dma_wait3A_696 : memref<1x128x128xf32, #tpu.memory_space<vmem>> -> memref<128x128xf32, #tpu.memory_space<vmem>>
        %dma_wait3A_698 = arith.constant 0 : i32
        %dma_wait3A_699 = arith.constant 0 : i32
        %dma_wait3A_700 = tpu.memref_slice %arg4[%dma_wait3A_698, %dma_wait3A_699] : memref<204800x128xf32, #tpu.memory_space<hbm>> -> memref<128x128xf32, #tpu.memory_space<hbm>>
        %dma_wait3A_701 = tpu.memref_slice %arg9[%dma_wait3A_693] : memref<5x!tpu.dma_semaphore, #tpu.memory_space<semaphore_mem>> -> memref<1x!tpu.dma_semaphore, #tpu.memory_space<semaphore_mem>>
        %dma_wait3A_702 = tpu.memref_squeeze %dma_wait3A_701 : memref<1x!tpu.dma_semaphore, #tpu.memory_space<semaphore_mem>> -> memref<!tpu.dma_semaphore, #tpu.memory_space<semaphore_mem>>
        %dma_wait3A_703 = arith.constant 0 : i32
        %dma_wait3A_704 = arith.constant 0 : i32
        %dma_wait3A_705 = tpu.memref_slice %arg4[%dma_wait3A_703, %dma_wait3A_704] : memref<204800x128xf32, #tpu.memory_space<hbm>> -> memref<128x128xf32, #tpu.memory_space<hbm>>
        %dma_wait3A_706 = arith.constant 0 : i32
        %dma_wait3A_707 = arith.constant 0 : i32
        %dma_wait3A_708 = tpu.memref_slice %arg6[%dma_wait3A_692, %dma_wait3A_706, %dma_wait3A_707] : memref<5x128x128xf32, #tpu.memory_space<vmem>> -> memref<1x128x128xf32, #tpu.memory_space<vmem>>
        %dma_wait3A_709 = tpu.memref_squeeze %dma_wait3A_708 : memref<1x128x128xf32, #tpu.memory_space<vmem>> -> memref<128x128xf32, #tpu.memory_space<vmem>>
        tpu.wait_dma2 semaphore(%dma_wait3A_702 : memref<!tpu.dma_semaphore, #tpu.memory_space<semaphore_mem>>) src(%dma_wait3A_709 : memref<128x128xf32, #tpu.memory_space<vmem>>) dst(%dma_wait3A_705 : memref<128x128xf32, #tpu.memory_space<hbm>>)
      } else {
      }
      %mul3A_228 = arith.constant 128 : i32
      %mul3A_229 = arith.muli %add3A_222, %mul3A_228 : i32
      %add3A_230 = arith.constant 0 : i32
      %add3A_231 = arith.addi %mul3A_229, %add3A_230 : i32
      %dma_start3A_232 = arith.constant 3 : i32
      %dma_start3A_233 = arith.constant 3 : i32
      %dma_start3A_234 = arith.constant 0 : i32
      %dma_start3A_235 = arith.constant 0 : i32
      %dma_start3A_236 = tpu.memref_slice %arg6[%dma_start3A_232, %dma_start3A_234, %dma_start3A_235] : memref<5x128x128xf32, #tpu.memory_space<vmem>> -> memref<1x64x128xf32, #tpu.memory_space<vmem>>
      %dma_start3A_237 = tpu.memref_squeeze %dma_start3A_236 : memref<1x64x128xf32, #tpu.memory_space<vmem>> -> memref<64x128xf32, #tpu.memory_space<vmem>>
      %dma_start3A_238 = tpu.memref_slice %arg5[%add3A_231] : memref<6400xi32, #tpu.memory_space<vmem>> -> memref<64xi32, #tpu.memory_space<vmem>>
      %dma_start3A_239 = arith.constant 0 : i32
      %dma_start3A_240 = arith.constant 0 : i32
      %dma_start3A_241 = tpu.memref_slice %arg3[%dma_start3A_239, %dma_start3A_240] : memref<100000x128xf32, #tpu.memory_space<hbm>> -> memref<100000x128xf32, #tpu.memory_space<hbm>>
      %dma_start3A_242 = tpu.memref_slice %arg7[%dma_start3A_233] : memref<5x!tpu.dma_semaphore, #tpu.memory_space<semaphore_mem>> -> memref<1x!tpu.dma_semaphore, #tpu.memory_space<semaphore_mem>>
      %dma_start3A_243 = tpu.memref_squeeze %dma_start3A_242 : memref<1x!tpu.dma_semaphore, #tpu.memory_space<semaphore_mem>> -> memref<!tpu.dma_semaphore, #tpu.memory_space<semaphore_mem>>
      tpu.enqueue_indirect_dma source(%dma_start3A_241 : memref<100000x128xf32, #tpu.memory_space<hbm>>) target(%dma_start3A_237 : memref<64x128xf32, #tpu.memory_space<vmem>>) offsets(%dma_start3A_238 : memref<64xi32, #tpu.memory_space<vmem>>) semaphore(%dma_start3A_243 : memref<!tpu.dma_semaphore, #tpu.memory_space<semaphore_mem>>)
      %mul3A_244 = arith.constant 128 : i32
      %mul3A_245 = arith.muli %add3A_222, %mul3A_244 : i32
      %add3A_246 = arith.constant 64 : i32
      %add3A_247 = arith.addi %mul3A_245, %add3A_246 : i32
      %dma_start3A_248 = arith.constant 3 : i32
      %dma_start3A_249 = arith.constant 3 : i32
      %dma_start3A_250 = arith.constant 64 : i32
      %dma_start3A_251 = arith.constant 0 : i32
      %dma_start3A_252 = tpu.memref_slice %arg6[%dma_start3A_248, %dma_start3A_250, %dma_start3A_251] : memref<5x128x128xf32, #tpu.memory_space<vmem>> -> memref<1x64x128xf32, #tpu.memory_space<vmem>>
      %dma_start3A_253 = tpu.memref_squeeze %dma_start3A_252 : memref<1x64x128xf32, #tpu.memory_space<vmem>> -> memref<64x128xf32, #tpu.memory_space<vmem>>
      %dma_start3A_254 = tpu.memref_slice %arg5[%add3A_247] : memref<6400xi32, #tpu.memory_space<vmem>> -> memref<64xi32, #tpu.memory_space<vmem>>
      %dma_start3A_255 = arith.constant 0 : i32
      %dma_start3A_256 = arith.constant 0 : i32
      %dma_start3A_257 = tpu.memref_slice %arg3[%dma_start3A_255, %dma_start3A_256] : memref<100000x128xf32, #tpu.memory_space<hbm>> -> memref<100000x128xf32, #tpu.memory_space<hbm>>
      %dma_start3A_258 = tpu.memref_slice %arg8[%dma_start3A_249] : memref<5x!tpu.dma_semaphore, #tpu.memory_space<semaphore_mem>> -> memref<1x!tpu.dma_semaphore, #tpu.memory_space<semaphore_mem>>
      %dma_start3A_259 = tpu.memref_squeeze %dma_start3A_258 : memref<1x!tpu.dma_semaphore, #tpu.memory_space<semaphore_mem>> -> memref<!tpu.dma_semaphore, #tpu.memory_space<semaphore_mem>>
      tpu.enqueue_indirect_dma source(%dma_start3A_257 : memref<100000x128xf32, #tpu.memory_space<hbm>>) target(%dma_start3A_253 : memref<64x128xf32, #tpu.memory_space<vmem>>) offsets(%dma_start3A_254 : memref<64xi32, #tpu.memory_space<vmem>>) semaphore(%dma_start3A_259 : memref<!tpu.dma_semaphore, #tpu.memory_space<semaphore_mem>>)
      %mul3A_260 = arith.constant 5 : i32
      %mul3A_261 = arith.muli %scan3A_98, %mul3A_260 : i32
      %add3A_262 = arith.constant 4 : i32
      %add3A_263 = arith.addi %mul3A_261, %add3A_262 : i32
      %gt3A_264 = arith.constant 0 : i32
      %gt3A_265 = arith.cmpi sgt, %scan3A_98, %gt3A_264 : i32
      %convert_element_type3A_266 = arith.extui %gt3A_265 : i1 to i32
      %cond3A_267 = arith.constant 0 : i32
      %cond3A_268 = arith.cmpi ne, %convert_element_type3A_266, %cond3A_267 : i32
      scf.if %cond3A_268 {
        %dma_wait3A_692 = arith.constant 4 : i32
        %dma_wait3A_693 = arith.constant 4 : i32
        %dma_wait3A_694 = arith.constant 0 : i32
        %dma_wait3A_695 = arith.constant 0 : i32
        %dma_wait3A_696 = tpu.memref_slice %arg6[%dma_wait3A_692, %dma_wait3A_694, %dma_wait3A_695] : memref<5x128x128xf32, #tpu.memory_space<vmem>> -> memref<1x128x128xf32, #tpu.memory_space<vmem>>
        %dma_wait3A_697 = tpu.memref_squeeze %dma_wait3A_696 : memref<1x128x128xf32, #tpu.memory_space<vmem>> -> memref<128x128xf32, #tpu.memory_space<vmem>>
        %dma_wait3A_698 = arith.constant 0 : i32
        %dma_wait3A_699 = arith.constant 0 : i32
        %dma_wait3A_700 = tpu.memref_slice %arg4[%dma_wait3A_698, %dma_wait3A_699] : memref<204800x128xf32, #tpu.memory_space<hbm>> -> memref<128x128xf32, #tpu.memory_space<hbm>>
        %dma_wait3A_701 = tpu.memref_slice %arg9[%dma_wait3A_693] : memref<5x!tpu.dma_semaphore, #tpu.memory_space<semaphore_mem>> -> memref<1x!tpu.dma_semaphore, #tpu.memory_space<semaphore_mem>>
        %dma_wait3A_702 = tpu.memref_squeeze %dma_wait3A_701 : memref<1x!tpu.dma_semaphore, #tpu.memory_space<semaphore_mem>> -> memref<!tpu.dma_semaphore, #tpu.memory_space<semaphore_mem>>
        %dma_wait3A_703 = arith.constant 0 : i32
        %dma_wait3A_704 = arith.constant 0 : i32
        %dma_wait3A_705 = tpu.memref_slice %arg4[%dma_wait3A_703, %dma_wait3A_704] : memref<204800x128xf32, #tpu.memory_space<hbm>> -> memref<128x128xf32, #tpu.memory_space<hbm>>
        %dma_wait3A_706 = arith.constant 0 : i32
        %dma_wait3A_707 = arith.constant 0 : i32
        %dma_wait3A_708 = tpu.memref_slice %arg6[%dma_wait3A_692, %dma_wait3A_706, %dma_wait3A_707] : memref<5x128x128xf32, #tpu.memory_space<vmem>> -> memref<1x128x128xf32, #tpu.memory_space<vmem>>
        %dma_wait3A_709 = tpu.memref_squeeze %dma_wait3A_708 : memref<1x128x128xf32, #tpu.memory_space<vmem>> -> memref<128x128xf32, #tpu.memory_space<vmem>>
        tpu.wait_dma2 semaphore(%dma_wait3A_702 : memref<!tpu.dma_semaphore, #tpu.memory_space<semaphore_mem>>) src(%dma_wait3A_709 : memref<128x128xf32, #tpu.memory_space<vmem>>) dst(%dma_wait3A_705 : memref<128x128xf32, #tpu.memory_space<hbm>>)
      } else {
      }
      %mul3A_269 = arith.constant 128 : i32
      %mul3A_270 = arith.muli %add3A_263, %mul3A_269 : i32
      %add3A_271 = arith.constant 0 : i32
      %add3A_272 = arith.addi %mul3A_270, %add3A_271 : i32
      %dma_start3A_273 = arith.constant 4 : i32
      %dma_start3A_274 = arith.constant 4 : i32
      %dma_start3A_275 = arith.constant 0 : i32
      %dma_start3A_276 = arith.constant 0 : i32
      %dma_start3A_277 = tpu.memref_slice %arg6[%dma_start3A_273, %dma_start3A_275, %dma_start3A_276] : memref<5x128x128xf32, #tpu.memory_space<vmem>> -> memref<1x64x128xf32, #tpu.memory_space<vmem>>
      %dma_start3A_278 = tpu.memref_squeeze %dma_start3A_277 : memref<1x64x128xf32, #tpu.memory_space<vmem>> -> memref<64x128xf32, #tpu.memory_space<vmem>>
      %dma_start3A_279 = tpu.memref_slice %arg5[%add3A_272] : memref<6400xi32, #tpu.memory_space<vmem>> -> memref<64xi32, #tpu.memory_space<vmem>>
      %dma_start3A_280 = arith.constant 0 : i32
      %dma_start3A_281 = arith.constant 0 : i32
      %dma_start3A_282 = tpu.memref_slice %arg3[%dma_start3A_280, %dma_start3A_281] : memref<100000x128xf32, #tpu.memory_space<hbm>> -> memref<100000x128xf32, #tpu.memory_space<hbm>>
      %dma_start3A_283 = tpu.memref_slice %arg7[%dma_start3A_274] : memref<5x!tpu.dma_semaphore, #tpu.memory_space<semaphore_mem>> -> memref<1x!tpu.dma_semaphore, #tpu.memory_space<semaphore_mem>>
      %dma_start3A_284 = tpu.memref_squeeze %dma_start3A_283 : memref<1x!tpu.dma_semaphore, #tpu.memory_space<semaphore_mem>> -> memref<!tpu.dma_semaphore, #tpu.memory_space<semaphore_mem>>
      tpu.enqueue_indirect_dma source(%dma_start3A_282 : memref<100000x128xf32, #tpu.memory_space<hbm>>) target(%dma_start3A_278 : memref<64x128xf32, #tpu.memory_space<vmem>>) offsets(%dma_start3A_279 : memref<64xi32, #tpu.memory_space<vmem>>) semaphore(%dma_start3A_284 : memref<!tpu.dma_semaphore, #tpu.memory_space<semaphore_mem>>)
      %mul3A_285 = arith.constant 128 : i32
      %mul3A_286 = arith.muli %add3A_263, %mul3A_285 : i32
      %add3A_287 = arith.constant 64 : i32
      %add3A_288 = arith.addi %mul3A_286, %add3A_287 : i32
      %dma_start3A_289 = arith.constant 4 : i32
      %dma_start3A_290 = arith.constant 4 : i32
      %dma_start3A_291 = arith.constant 64 : i32
      %dma_start3A_292 = arith.constant 0 : i32
      %dma_start3A_293 = tpu.memref_slice %arg6[%dma_start3A_289, %dma_start3A_291, %dma_start3A_292] : memref<5x128x128xf32, #tpu.memory_space<vmem>> -> memref<1x64x128xf32, #tpu.memory_space<vmem>>
      %dma_start3A_294 = tpu.memref_squeeze %dma_start3A_293 : memref<1x64x128xf32, #tpu.memory_space<vmem>> -> memref<64x128xf32, #tpu.memory_space<vmem>>
      %dma_start3A_295 = tpu.memref_slice %arg5[%add3A_288] : memref<6400xi32, #tpu.memory_space<vmem>> -> memref<64xi32, #tpu.memory_space<vmem>>
      %dma_start3A_296 = arith.constant 0 : i32
      %dma_start3A_297 = arith.constant 0 : i32
      %dma_start3A_298 = tpu.memref_slice %arg3[%dma_start3A_296, %dma_start3A_297] : memref<100000x128xf32, #tpu.memory_space<hbm>> -> memref<100000x128xf32, #tpu.memory_space<hbm>>
      %dma_start3A_299 = tpu.memref_slice %arg8[%dma_start3A_290] : memref<5x!tpu.dma_semaphore, #tpu.memory_space<semaphore_mem>> -> memref<1x!tpu.dma_semaphore, #tpu.memory_space<semaphore_mem>>
      %dma_start3A_300 = tpu.memref_squeeze %dma_start3A_299 : memref<1x!tpu.dma_semaphore, #tpu.memory_space<semaphore_mem>> -> memref<!tpu.dma_semaphore, #tpu.memory_space<semaphore_mem>>
      tpu.enqueue_indirect_dma source(%dma_start3A_298 : memref<100000x128xf32, #tpu.memory_space<hbm>>) target(%dma_start3A_294 : memref<64x128xf32, #tpu.memory_space<vmem>>) offsets(%dma_start3A_295 : memref<64xi32, #tpu.memory_space<vmem>>) semaphore(%dma_start3A_300 : memref<!tpu.dma_semaphore, #tpu.memory_space<semaphore_mem>>)
      %mul3A_301 = arith.constant 5 : i32
      %mul3A_302 = arith.muli %scan3A_98, %mul3A_301 : i32
      %add3A_303 = arith.constant 0 : i32
      %add3A_304 = arith.addi %mul3A_302, %add3A_303 : i32
      %mul3A_305 = arith.constant 128 : i32
      %mul3A_306 = arith.muli %add3A_304, %mul3A_305 : i32
      %add3A_307 = arith.constant 0 : i32
      %add3A_308 = arith.addi %mul3A_306, %add3A_307 : i32
      %dma_wait3A_309 = arith.constant 0 : i32
      %dma_wait3A_310 = arith.constant 0 : i32
      %dma_wait3A_311 = arith.constant 0 : i32
      %dma_wait3A_312 = arith.constant 0 : i32
      %dma_wait3A_313 = tpu.memref_slice %arg6[%dma_wait3A_309, %dma_wait3A_311, %dma_wait3A_312] : memref<5x128x128xf32, #tpu.memory_space<vmem>> -> memref<1x64x128xf32, #tpu.memory_space<vmem>>
      %dma_wait3A_314 = tpu.memref_squeeze %dma_wait3A_313 : memref<1x64x128xf32, #tpu.memory_space<vmem>> -> memref<64x128xf32, #tpu.memory_space<vmem>>
      %dma_wait3A_315 = tpu.memref_slice %arg5[%add3A_308] : memref<6400xi32, #tpu.memory_space<vmem>> -> memref<64xi32, #tpu.memory_space<vmem>>
      %dma_wait3A_316 = arith.constant 0 : i32
      %dma_wait3A_317 = arith.constant 0 : i32
      %dma_wait3A_318 = tpu.memref_slice %arg3[%dma_wait3A_316, %dma_wait3A_317] : memref<100000x128xf32, #tpu.memory_space<hbm>> -> memref<100000x128xf32, #tpu.memory_space<hbm>>
      %dma_wait3A_319 = tpu.memref_slice %arg7[%dma_wait3A_310] : memref<5x!tpu.dma_semaphore, #tpu.memory_space<semaphore_mem>> -> memref<1x!tpu.dma_semaphore, #tpu.memory_space<semaphore_mem>>
      %dma_wait3A_320 = tpu.memref_squeeze %dma_wait3A_319 : memref<1x!tpu.dma_semaphore, #tpu.memory_space<semaphore_mem>> -> memref<!tpu.dma_semaphore, #tpu.memory_space<semaphore_mem>>
      tpu.wait_indirect_dma semaphore(%dma_wait3A_320 : memref<!tpu.dma_semaphore, #tpu.memory_space<semaphore_mem>>) src(%dma_wait3A_318 : memref<100000x128xf32, #tpu.memory_space<hbm>>) dst(%dma_wait3A_314 : memref<64x128xf32, #tpu.memory_space<vmem>>)
      %mul3A_321 = arith.constant 128 : i32
      %mul3A_322 = arith.muli %add3A_304, %mul3A_321 : i32
      %add3A_323 = arith.addi %mul3A_2, %mul3A_322 : i32
      %add3A_324 = arith.constant 0 : i32
      %add3A_325 = arith.addi %add3A_323, %add3A_324 : i32
      %dma_start3A_326 = arith.constant 0 : i32
      %dma_start3A_327 = arith.constant 0 : i32
      %dma_start3A_328 = arith.constant 0 : i32
      %dma_start3A_329 = arith.constant 0 : i32
      %dma_start3A_330 = tpu.memref_slice %arg6[%dma_start3A_326, %dma_start3A_328, %dma_start3A_329] : memref<5x128x128xf32, #tpu.memory_space<vmem>> -> memref<1x64x128xf32, #tpu.memory_space<vmem>>
      %dma_start3A_331 = tpu.memref_squeeze %dma_start3A_330 : memref<1x64x128xf32, #tpu.memory_space<vmem>> -> memref<64x128xf32, #tpu.memory_space<vmem>>
      %dma_start3A_332 = arith.constant 0 : i32
      %dma_start3A_333 = tpu.memref_slice %arg4[%add3A_325, %dma_start3A_332] : memref<204800x128xf32, #tpu.memory_space<hbm>> -> memref<64x128xf32, #tpu.memory_space<hbm>>
      %dma_start3A_334 = tpu.memref_slice %arg9[%dma_start3A_327] : memref<5x!tpu.dma_semaphore, #tpu.memory_space<semaphore_mem>> -> memref<1x!tpu.dma_semaphore, #tpu.memory_space<semaphore_mem>>
      %dma_start3A_335 = tpu.memref_squeeze %dma_start3A_334 : memref<1x!tpu.dma_semaphore, #tpu.memory_space<semaphore_mem>> -> memref<!tpu.dma_semaphore, #tpu.memory_space<semaphore_mem>>
      %dma_start3A_336 = arith.constant 0 : i32
      %dma_start3A_337 = tpu.memref_slice %arg4[%add3A_325, %dma_start3A_336] : memref<204800x128xf32, #tpu.memory_space<hbm>> -> memref<64x128xf32, #tpu.memory_space<hbm>>
      %dma_start3A_338 = arith.constant 0 : i32
      %dma_start3A_339 = arith.constant 0 : i32
      %dma_start3A_340 = tpu.memref_slice %arg6[%dma_start3A_326, %dma_start3A_338, %dma_start3A_339] : memref<5x128x128xf32, #tpu.memory_space<vmem>> -> memref<1x64x128xf32, #tpu.memory_space<vmem>>
      %dma_start3A_341 = tpu.memref_squeeze %dma_start3A_340 : memref<1x64x128xf32, #tpu.memory_space<vmem>> -> memref<64x128xf32, #tpu.memory_space<vmem>>
      tpu.enqueue_dma source(%dma_start3A_341 : memref<64x128xf32, #tpu.memory_space<vmem>>) target(%dma_start3A_337 : memref<64x128xf32, #tpu.memory_space<hbm>>) target_semaphore(%dma_start3A_335 : memref<!tpu.dma_semaphore, #tpu.memory_space<semaphore_mem>>)
      %mul3A_342 = arith.constant 128 : i32
      %mul3A_343 = arith.muli %add3A_304, %mul3A_342 : i32
      %add3A_344 = arith.constant 64 : i32
      %add3A_345 = arith.addi %mul3A_343, %add3A_344 : i32
      %dma_wait3A_346 = arith.constant 0 : i32
      %dma_wait3A_347 = arith.constant 0 : i32
      %dma_wait3A_348 = arith.constant 64 : i32
      %dma_wait3A_349 = arith.constant 0 : i32
      %dma_wait3A_350 = tpu.memref_slice %arg6[%dma_wait3A_346, %dma_wait3A_348, %dma_wait3A_349] : memref<5x128x128xf32, #tpu.memory_space<vmem>> -> memref<1x64x128xf32, #tpu.memory_space<vmem>>
      %dma_wait3A_351 = tpu.memref_squeeze %dma_wait3A_350 : memref<1x64x128xf32, #tpu.memory_space<vmem>> -> memref<64x128xf32, #tpu.memory_space<vmem>>
      %dma_wait3A_352 = tpu.memref_slice %arg5[%add3A_345] : memref<6400xi32, #tpu.memory_space<vmem>> -> memref<64xi32, #tpu.memory_space<vmem>>
      %dma_wait3A_353 = arith.constant 0 : i32
      %dma_wait3A_354 = arith.constant 0 : i32
      %dma_wait3A_355 = tpu.memref_slice %arg3[%dma_wait3A_353, %dma_wait3A_354] : memref<100000x128xf32, #tpu.memory_space<hbm>> -> memref<100000x128xf32, #tpu.memory_space<hbm>>
      %dma_wait3A_356 = tpu.memref_slice %arg8[%dma_wait3A_347] : memref<5x!tpu.dma_semaphore, #tpu.memory_space<semaphore_mem>> -> memref<1x!tpu.dma_semaphore, #tpu.memory_space<semaphore_mem>>
      %dma_wait3A_357 = tpu.memref_squeeze %dma_wait3A_356 : memref<1x!tpu.dma_semaphore, #tpu.memory_space<semaphore_mem>> -> memref<!tpu.dma_semaphore, #tpu.memory_space<semaphore_mem>>
      tpu.wait_indirect_dma semaphore(%dma_wait3A_357 : memref<!tpu.dma_semaphore, #tpu.memory_space<semaphore_mem>>) src(%dma_wait3A_355 : memref<100000x128xf32, #tpu.memory_space<hbm>>) dst(%dma_wait3A_351 : memref<64x128xf32, #tpu.memory_space<vmem>>)
      %mul3A_358 = arith.constant 128 : i32
      %mul3A_359 = arith.muli %add3A_304, %mul3A_358 : i32
      %add3A_360 = arith.addi %mul3A_2, %mul3A_359 : i32
      %add3A_361 = arith.constant 64 : i32
      %add3A_362 = arith.addi %add3A_360, %add3A_361 : i32
      %dma_start3A_363 = arith.constant 0 : i32
      %dma_start3A_364 = arith.constant 0 : i32
      %dma_start3A_365 = arith.constant 64 : i32
      %dma_start3A_366 = arith.constant 0 : i32
      %dma_start3A_367 = tpu.memref_slice %arg6[%dma_start3A_363, %dma_start3A_365, %dma_start3A_366] : memref<5x128x128xf32, #tpu.memory_space<vmem>> -> memref<1x64x128xf32, #tpu.memory_space<vmem>>
      %dma_start3A_368 = tpu.memref_squeeze %dma_start3A_367 : memref<1x64x128xf32, #tpu.memory_space<vmem>> -> memref<64x128xf32, #tpu.memory_space<vmem>>
      %dma_start3A_369 = arith.constant 0 : i32
      %dma_start3A_370 = tpu.memref_slice %arg4[%add3A_362, %dma_start3A_369] : memref<204800x128xf32, #tpu.memory_space<hbm>> -> memref<64x128xf32, #tpu.memory_space<hbm>>
      %dma_start3A_371 = tpu.memref_slice %arg9[%dma_start3A_364] : memref<5x!tpu.dma_semaphore, #tpu.memory_space<semaphore_mem>> -> memref<1x!tpu.dma_semaphore, #tpu.memory_space<semaphore_mem>>
      %dma_start3A_372 = tpu.memref_squeeze %dma_start3A_371 : memref<1x!tpu.dma_semaphore, #tpu.memory_space<semaphore_mem>> -> memref<!tpu.dma_semaphore, #tpu.memory_space<semaphore_mem>>
      %dma_start3A_373 = arith.constant 0 : i32
      %dma_start3A_374 = tpu.memref_slice %arg4[%add3A_362, %dma_start3A_373] : memref<204800x128xf32, #tpu.memory_space<hbm>> -> memref<64x128xf32, #tpu.memory_space<hbm>>
      %dma_start3A_375 = arith.constant 64 : i32
      %dma_start3A_376 = arith.constant 0 : i32
      %dma_start3A_377 = tpu.memref_slice %arg6[%dma_start3A_363, %dma_start3A_375, %dma_start3A_376] : memref<5x128x128xf32, #tpu.memory_space<vmem>> -> memref<1x64x128xf32, #tpu.memory_space<vmem>>
      %dma_start3A_378 = tpu.memref_squeeze %dma_start3A_377 : memref<1x64x128xf32, #tpu.memory_space<vmem>> -> memref<64x128xf32, #tpu.memory_space<vmem>>
      tpu.enqueue_dma source(%dma_start3A_378 : memref<64x128xf32, #tpu.memory_space<vmem>>) target(%dma_start3A_374 : memref<64x128xf32, #tpu.memory_space<hbm>>) target_semaphore(%dma_start3A_372 : memref<!tpu.dma_semaphore, #tpu.memory_space<semaphore_mem>>)
      %mul3A_379 = arith.constant 5 : i32
      %mul3A_380 = arith.muli %scan3A_98, %mul3A_379 : i32
      %add3A_381 = arith.constant 1 : i32
      %add3A_382 = arith.addi %mul3A_380, %add3A_381 : i32
      %mul3A_383 = arith.constant 128 : i32
      %mul3A_384 = arith.muli %add3A_382, %mul3A_383 : i32
      %add3A_385 = arith.constant 0 : i32
      %add3A_386 = arith.addi %mul3A_384, %add3A_385 : i32
      %dma_wait3A_387 = arith.constant 1 : i32
      %dma_wait3A_388 = arith.constant 1 : i32
      %dma_wait3A_389 = arith.constant 0 : i32
      %dma_wait3A_390 = arith.constant 0 : i32
      %dma_wait3A_391 = tpu.memref_slice %arg6[%dma_wait3A_387, %dma_wait3A_389, %dma_wait3A_390] : memref<5x128x128xf32, #tpu.memory_space<vmem>> -> memref<1x64x128xf32, #tpu.memory_space<vmem>>
      %dma_wait3A_392 = tpu.memref_squeeze %dma_wait3A_391 : memref<1x64x128xf32, #tpu.memory_space<vmem>> -> memref<64x128xf32, #tpu.memory_space<vmem>>
      %dma_wait3A_393 = tpu.memref_slice %arg5[%add3A_386] : memref<6400xi32, #tpu.memory_space<vmem>> -> memref<64xi32, #tpu.memory_space<vmem>>
      %dma_wait3A_394 = arith.constant 0 : i32
      %dma_wait3A_395 = arith.constant 0 : i32
      %dma_wait3A_396 = tpu.memref_slice %arg3[%dma_wait3A_394, %dma_wait3A_395] : memref<100000x128xf32, #tpu.memory_space<hbm>> -> memref<100000x128xf32, #tpu.memory_space<hbm>>
      %dma_wait3A_397 = tpu.memref_slice %arg7[%dma_wait3A_388] : memref<5x!tpu.dma_semaphore, #tpu.memory_space<semaphore_mem>> -> memref<1x!tpu.dma_semaphore, #tpu.memory_space<semaphore_mem>>
      %dma_wait3A_398 = tpu.memref_squeeze %dma_wait3A_397 : memref<1x!tpu.dma_semaphore, #tpu.memory_space<semaphore_mem>> -> memref<!tpu.dma_semaphore, #tpu.memory_space<semaphore_mem>>
      tpu.wait_indirect_dma semaphore(%dma_wait3A_398 : memref<!tpu.dma_semaphore, #tpu.memory_space<semaphore_mem>>) src(%dma_wait3A_396 : memref<100000x128xf32, #tpu.memory_space<hbm>>) dst(%dma_wait3A_392 : memref<64x128xf32, #tpu.memory_space<vmem>>)
      %mul3A_399 = arith.constant 128 : i32
      %mul3A_400 = arith.muli %add3A_382, %mul3A_399 : i32
      %add3A_401 = arith.addi %mul3A_2, %mul3A_400 : i32
      %add3A_402 = arith.constant 0 : i32
      %add3A_403 = arith.addi %add3A_401, %add3A_402 : i32
      %dma_start3A_404 = arith.constant 1 : i32
      %dma_start3A_405 = arith.constant 1 : i32
      %dma_start3A_406 = arith.constant 0 : i32
      %dma_start3A_407 = arith.constant 0 : i32
      %dma_start3A_408 = tpu.memref_slice %arg6[%dma_start3A_404, %dma_start3A_406, %dma_start3A_407] : memref<5x128x128xf32, #tpu.memory_space<vmem>> -> memref<1x64x128xf32, #tpu.memory_space<vmem>>
      %dma_start3A_409 = tpu.memref_squeeze %dma_start3A_408 : memref<1x64x128xf32, #tpu.memory_space<vmem>> -> memref<64x128xf32, #tpu.memory_space<vmem>>
      %dma_start3A_410 = arith.constant 0 : i32
      %dma_start3A_411 = tpu.memref_slice %arg4[%add3A_403, %dma_start3A_410] : memref<204800x128xf32, #tpu.memory_space<hbm>> -> memref<64x128xf32, #tpu.memory_space<hbm>>
      %dma_start3A_412 = tpu.memref_slice %arg9[%dma_start3A_405] : memref<5x!tpu.dma_semaphore, #tpu.memory_space<semaphore_mem>> -> memref<1x!tpu.dma_semaphore, #tpu.memory_space<semaphore_mem>>
      %dma_start3A_413 = tpu.memref_squeeze %dma_start3A_412 : memref<1x!tpu.dma_semaphore, #tpu.memory_space<semaphore_mem>> -> memref<!tpu.dma_semaphore, #tpu.memory_space<semaphore_mem>>
      %dma_start3A_414 = arith.constant 0 : i32
      %dma_start3A_415 = tpu.memref_slice %arg4[%add3A_403, %dma_start3A_414] : memref<204800x128xf32, #tpu.memory_space<hbm>> -> memref<64x128xf32, #tpu.memory_space<hbm>>
      %dma_start3A_416 = arith.constant 0 : i32
      %dma_start3A_417 = arith.constant 0 : i32
      %dma_start3A_418 = tpu.memref_slice %arg6[%dma_start3A_404, %dma_start3A_416, %dma_start3A_417] : memref<5x128x128xf32, #tpu.memory_space<vmem>> -> memref<1x64x128xf32, #tpu.memory_space<vmem>>
      %dma_start3A_419 = tpu.memref_squeeze %dma_start3A_418 : memref<1x64x128xf32, #tpu.memory_space<vmem>> -> memref<64x128xf32, #tpu.memory_space<vmem>>
      tpu.enqueue_dma source(%dma_start3A_419 : memref<64x128xf32, #tpu.memory_space<vmem>>) target(%dma_start3A_415 : memref<64x128xf32, #tpu.memory_space<hbm>>) target_semaphore(%dma_start3A_413 : memref<!tpu.dma_semaphore, #tpu.memory_space<semaphore_mem>>)
      %mul3A_420 = arith.constant 128 : i32
      %mul3A_421 = arith.muli %add3A_382, %mul3A_420 : i32
      %add3A_422 = arith.constant 64 : i32
      %add3A_423 = arith.addi %mul3A_421, %add3A_422 : i32
      %dma_wait3A_424 = arith.constant 1 : i32
      %dma_wait3A_425 = arith.constant 1 : i32
      %dma_wait3A_426 = arith.constant 64 : i32
      %dma_wait3A_427 = arith.constant 0 : i32
      %dma_wait3A_428 = tpu.memref_slice %arg6[%dma_wait3A_424, %dma_wait3A_426, %dma_wait3A_427] : memref<5x128x128xf32, #tpu.memory_space<vmem>> -> memref<1x64x128xf32, #tpu.memory_space<vmem>>
      %dma_wait3A_429 = tpu.memref_squeeze %dma_wait3A_428 : memref<1x64x128xf32, #tpu.memory_space<vmem>> -> memref<64x128xf32, #tpu.memory_space<vmem>>
      %dma_wait3A_430 = tpu.memref_slice %arg5[%add3A_423] : memref<6400xi32, #tpu.memory_space<vmem>> -> memref<64xi32, #tpu.memory_space<vmem>>
      %dma_wait3A_431 = arith.constant 0 : i32
      %dma_wait3A_432 = arith.constant 0 : i32
      %dma_wait3A_433 = tpu.memref_slice %arg3[%dma_wait3A_431, %dma_wait3A_432] : memref<100000x128xf32, #tpu.memory_space<hbm>> -> memref<100000x128xf32, #tpu.memory_space<hbm>>
      %dma_wait3A_434 = tpu.memref_slice %arg8[%dma_wait3A_425] : memref<5x!tpu.dma_semaphore, #tpu.memory_space<semaphore_mem>> -> memref<1x!tpu.dma_semaphore, #tpu.memory_space<semaphore_mem>>
      %dma_wait3A_435 = tpu.memref_squeeze %dma_wait3A_434 : memref<1x!tpu.dma_semaphore, #tpu.memory_space<semaphore_mem>> -> memref<!tpu.dma_semaphore, #tpu.memory_space<semaphore_mem>>
      tpu.wait_indirect_dma semaphore(%dma_wait3A_435 : memref<!tpu.dma_semaphore, #tpu.memory_space<semaphore_mem>>) src(%dma_wait3A_433 : memref<100000x128xf32, #tpu.memory_space<hbm>>) dst(%dma_wait3A_429 : memref<64x128xf32, #tpu.memory_space<vmem>>)
      %mul3A_436 = arith.constant 128 : i32
      %mul3A_437 = arith.muli %add3A_382, %mul3A_436 : i32
      %add3A_438 = arith.addi %mul3A_2, %mul3A_437 : i32
      %add3A_439 = arith.constant 64 : i32
      %add3A_440 = arith.addi %add3A_438, %add3A_439 : i32
      %dma_start3A_441 = arith.constant 1 : i32
      %dma_start3A_442 = arith.constant 1 : i32
      %dma_start3A_443 = arith.constant 64 : i32
      %dma_start3A_444 = arith.constant 0 : i32
      %dma_start3A_445 = tpu.memref_slice %arg6[%dma_start3A_441, %dma_start3A_443, %dma_start3A_444] : memref<5x128x128xf32, #tpu.memory_space<vmem>> -> memref<1x64x128xf32, #tpu.memory_space<vmem>>
      %dma_start3A_446 = tpu.memref_squeeze %dma_start3A_445 : memref<1x64x128xf32, #tpu.memory_space<vmem>> -> memref<64x128xf32, #tpu.memory_space<vmem>>
      %dma_start3A_447 = arith.constant 0 : i32
      %dma_start3A_448 = tpu.memref_slice %arg4[%add3A_440, %dma_start3A_447] : memref<204800x128xf32, #tpu.memory_space<hbm>> -> memref<64x128xf32, #tpu.memory_space<hbm>>
      %dma_start3A_449 = tpu.memref_slice %arg9[%dma_start3A_442] : memref<5x!tpu.dma_semaphore, #tpu.memory_space<semaphore_mem>> -> memref<1x!tpu.dma_semaphore, #tpu.memory_space<semaphore_mem>>
      %dma_start3A_450 = tpu.memref_squeeze %dma_start3A_449 : memref<1x!tpu.dma_semaphore, #tpu.memory_space<semaphore_mem>> -> memref<!tpu.dma_semaphore, #tpu.memory_space<semaphore_mem>>
      %dma_start3A_451 = arith.constant 0 : i32
      %dma_start3A_452 = tpu.memref_slice %arg4[%add3A_440, %dma_start3A_451] : memref<204800x128xf32, #tpu.memory_space<hbm>> -> memref<64x128xf32, #tpu.memory_space<hbm>>
      %dma_start3A_453 = arith.constant 64 : i32
      %dma_start3A_454 = arith.constant 0 : i32
      %dma_start3A_455 = tpu.memref_slice %arg6[%dma_start3A_441, %dma_start3A_453, %dma_start3A_454] : memref<5x128x128xf32, #tpu.memory_space<vmem>> -> memref<1x64x128xf32, #tpu.memory_space<vmem>>
      %dma_start3A_456 = tpu.memref_squeeze %dma_start3A_455 : memref<1x64x128xf32, #tpu.memory_space<vmem>> -> memref<64x128xf32, #tpu.memory_space<vmem>>
      tpu.enqueue_dma source(%dma_start3A_456 : memref<64x128xf32, #tpu.memory_space<vmem>>) target(%dma_start3A_452 : memref<64x128xf32, #tpu.memory_space<hbm>>) target_semaphore(%dma_start3A_450 : memref<!tpu.dma_semaphore, #tpu.memory_space<semaphore_mem>>)
      %mul3A_457 = arith.constant 5 : i32
      %mul3A_458 = arith.muli %scan3A_98, %mul3A_457 : i32
      %add3A_459 = arith.constant 2 : i32
      %add3A_460 = arith.addi %mul3A_458, %add3A_459 : i32
      %mul3A_461 = arith.constant 128 : i32
      %mul3A_462 = arith.muli %add3A_460, %mul3A_461 : i32
      %add3A_463 = arith.constant 0 : i32
      %add3A_464 = arith.addi %mul3A_462, %add3A_463 : i32
      %dma_wait3A_465 = arith.constant 2 : i32
      %dma_wait3A_466 = arith.constant 2 : i32
      %dma_wait3A_467 = arith.constant 0 : i32
      %dma_wait3A_468 = arith.constant 0 : i32
      %dma_wait3A_469 = tpu.memref_slice %arg6[%dma_wait3A_465, %dma_wait3A_467, %dma_wait3A_468] : memref<5x128x128xf32, #tpu.memory_space<vmem>> -> memref<1x64x128xf32, #tpu.memory_space<vmem>>
      %dma_wait3A_470 = tpu.memref_squeeze %dma_wait3A_469 : memref<1x64x128xf32, #tpu.memory_space<vmem>> -> memref<64x128xf32, #tpu.memory_space<vmem>>
      %dma_wait3A_471 = tpu.memref_slice %arg5[%add3A_464] : memref<6400xi32, #tpu.memory_space<vmem>> -> memref<64xi32, #tpu.memory_space<vmem>>
      %dma_wait3A_472 = arith.constant 0 : i32
      %dma_wait3A_473 = arith.constant 0 : i32
      %dma_wait3A_474 = tpu.memref_slice %arg3[%dma_wait3A_472, %dma_wait3A_473] : memref<100000x128xf32, #tpu.memory_space<hbm>> -> memref<100000x128xf32, #tpu.memory_space<hbm>>
      %dma_wait3A_475 = tpu.memref_slice %arg7[%dma_wait3A_466] : memref<5x!tpu.dma_semaphore, #tpu.memory_space<semaphore_mem>> -> memref<1x!tpu.dma_semaphore, #tpu.memory_space<semaphore_mem>>
      %dma_wait3A_476 = tpu.memref_squeeze %dma_wait3A_475 : memref<1x!tpu.dma_semaphore, #tpu.memory_space<semaphore_mem>> -> memref<!tpu.dma_semaphore, #tpu.memory_space<semaphore_mem>>
      tpu.wait_indirect_dma semaphore(%dma_wait3A_476 : memref<!tpu.dma_semaphore, #tpu.memory_space<semaphore_mem>>) src(%dma_wait3A_474 : memref<100000x128xf32, #tpu.memory_space<hbm>>) dst(%dma_wait3A_470 : memref<64x128xf32, #tpu.memory_space<vmem>>)
      %mul3A_477 = arith.constant 128 : i32
      %mul3A_478 = arith.muli %add3A_460, %mul3A_477 : i32
      %add3A_479 = arith.addi %mul3A_2, %mul3A_478 : i32
      %add3A_480 = arith.constant 0 : i32
      %add3A_481 = arith.addi %add3A_479, %add3A_480 : i32
      %dma_start3A_482 = arith.constant 2 : i32
      %dma_start3A_483 = arith.constant 2 : i32
      %dma_start3A_484 = arith.constant 0 : i32
      %dma_start3A_485 = arith.constant 0 : i32
      %dma_start3A_486 = tpu.memref_slice %arg6[%dma_start3A_482, %dma_start3A_484, %dma_start3A_485] : memref<5x128x128xf32, #tpu.memory_space<vmem>> -> memref<1x64x128xf32, #tpu.memory_space<vmem>>
      %dma_start3A_487 = tpu.memref_squeeze %dma_start3A_486 : memref<1x64x128xf32, #tpu.memory_space<vmem>> -> memref<64x128xf32, #tpu.memory_space<vmem>>
      %dma_start3A_488 = arith.constant 0 : i32
      %dma_start3A_489 = tpu.memref_slice %arg4[%add3A_481, %dma_start3A_488] : memref<204800x128xf32, #tpu.memory_space<hbm>> -> memref<64x128xf32, #tpu.memory_space<hbm>>
      %dma_start3A_490 = tpu.memref_slice %arg9[%dma_start3A_483] : memref<5x!tpu.dma_semaphore, #tpu.memory_space<semaphore_mem>> -> memref<1x!tpu.dma_semaphore, #tpu.memory_space<semaphore_mem>>
      %dma_start3A_491 = tpu.memref_squeeze %dma_start3A_490 : memref<1x!tpu.dma_semaphore, #tpu.memory_space<semaphore_mem>> -> memref<!tpu.dma_semaphore, #tpu.memory_space<semaphore_mem>>
      %dma_start3A_492 = arith.constant 0 : i32
      %dma_start3A_493 = tpu.memref_slice %arg4[%add3A_481, %dma_start3A_492] : memref<204800x128xf32, #tpu.memory_space<hbm>> -> memref<64x128xf32, #tpu.memory_space<hbm>>
      %dma_start3A_494 = arith.constant 0 : i32
      %dma_start3A_495 = arith.constant 0 : i32
      %dma_start3A_496 = tpu.memref_slice %arg6[%dma_start3A_482, %dma_start3A_494, %dma_start3A_495] : memref<5x128x128xf32, #tpu.memory_space<vmem>> -> memref<1x64x128xf32, #tpu.memory_space<vmem>>
      %dma_start3A_497 = tpu.memref_squeeze %dma_start3A_496 : memref<1x64x128xf32, #tpu.memory_space<vmem>> -> memref<64x128xf32, #tpu.memory_space<vmem>>
      tpu.enqueue_dma source(%dma_start3A_497 : memref<64x128xf32, #tpu.memory_space<vmem>>) target(%dma_start3A_493 : memref<64x128xf32, #tpu.memory_space<hbm>>) target_semaphore(%dma_start3A_491 : memref<!tpu.dma_semaphore, #tpu.memory_space<semaphore_mem>>)
      %mul3A_498 = arith.constant 128 : i32
      %mul3A_499 = arith.muli %add3A_460, %mul3A_498 : i32
      %add3A_500 = arith.constant 64 : i32
      %add3A_501 = arith.addi %mul3A_499, %add3A_500 : i32
      %dma_wait3A_502 = arith.constant 2 : i32
      %dma_wait3A_503 = arith.constant 2 : i32
      %dma_wait3A_504 = arith.constant 64 : i32
      %dma_wait3A_505 = arith.constant 0 : i32
      %dma_wait3A_506 = tpu.memref_slice %arg6[%dma_wait3A_502, %dma_wait3A_504, %dma_wait3A_505] : memref<5x128x128xf32, #tpu.memory_space<vmem>> -> memref<1x64x128xf32, #tpu.memory_space<vmem>>
      %dma_wait3A_507 = tpu.memref_squeeze %dma_wait3A_506 : memref<1x64x128xf32, #tpu.memory_space<vmem>> -> memref<64x128xf32, #tpu.memory_space<vmem>>
      %dma_wait3A_508 = tpu.memref_slice %arg5[%add3A_501] : memref<6400xi32, #tpu.memory_space<vmem>> -> memref<64xi32, #tpu.memory_space<vmem>>
      %dma_wait3A_509 = arith.constant 0 : i32
      %dma_wait3A_510 = arith.constant 0 : i32
      %dma_wait3A_511 = tpu.memref_slice %arg3[%dma_wait3A_509, %dma_wait3A_510] : memref<100000x128xf32, #tpu.memory_space<hbm>> -> memref<100000x128xf32, #tpu.memory_space<hbm>>
      %dma_wait3A_512 = tpu.memref_slice %arg8[%dma_wait3A_503] : memref<5x!tpu.dma_semaphore, #tpu.memory_space<semaphore_mem>> -> memref<1x!tpu.dma_semaphore, #tpu.memory_space<semaphore_mem>>
      %dma_wait3A_513 = tpu.memref_squeeze %dma_wait3A_512 : memref<1x!tpu.dma_semaphore, #tpu.memory_space<semaphore_mem>> -> memref<!tpu.dma_semaphore, #tpu.memory_space<semaphore_mem>>
      tpu.wait_indirect_dma semaphore(%dma_wait3A_513 : memref<!tpu.dma_semaphore, #tpu.memory_space<semaphore_mem>>) src(%dma_wait3A_511 : memref<100000x128xf32, #tpu.memory_space<hbm>>) dst(%dma_wait3A_507 : memref<64x128xf32, #tpu.memory_space<vmem>>)
      %mul3A_514 = arith.constant 128 : i32
      %mul3A_515 = arith.muli %add3A_460, %mul3A_514 : i32
      %add3A_516 = arith.addi %mul3A_2, %mul3A_515 : i32
      %add3A_517 = arith.constant 64 : i32
      %add3A_518 = arith.addi %add3A_516, %add3A_517 : i32
      %dma_start3A_519 = arith.constant 2 : i32
      %dma_start3A_520 = arith.constant 2 : i32
      %dma_start3A_521 = arith.constant 64 : i32
      %dma_start3A_522 = arith.constant 0 : i32
      %dma_start3A_523 = tpu.memref_slice %arg6[%dma_start3A_519, %dma_start3A_521, %dma_start3A_522] : memref<5x128x128xf32, #tpu.memory_space<vmem>> -> memref<1x64x128xf32, #tpu.memory_space<vmem>>
      %dma_start3A_524 = tpu.memref_squeeze %dma_start3A_523 : memref<1x64x128xf32, #tpu.memory_space<vmem>> -> memref<64x128xf32, #tpu.memory_space<vmem>>
      %dma_start3A_525 = arith.constant 0 : i32
      %dma_start3A_526 = tpu.memref_slice %arg4[%add3A_518, %dma_start3A_525] : memref<204800x128xf32, #tpu.memory_space<hbm>> -> memref<64x128xf32, #tpu.memory_space<hbm>>
      %dma_start3A_527 = tpu.memref_slice %arg9[%dma_start3A_520] : memref<5x!tpu.dma_semaphore, #tpu.memory_space<semaphore_mem>> -> memref<1x!tpu.dma_semaphore, #tpu.memory_space<semaphore_mem>>
      %dma_start3A_528 = tpu.memref_squeeze %dma_start3A_527 : memref<1x!tpu.dma_semaphore, #tpu.memory_space<semaphore_mem>> -> memref<!tpu.dma_semaphore, #tpu.memory_space<semaphore_mem>>
      %dma_start3A_529 = arith.constant 0 : i32
      %dma_start3A_530 = tpu.memref_slice %arg4[%add3A_518, %dma_start3A_529] : memref<204800x128xf32, #tpu.memory_space<hbm>> -> memref<64x128xf32, #tpu.memory_space<hbm>>
      %dma_start3A_531 = arith.constant 64 : i32
      %dma_start3A_532 = arith.constant 0 : i32
      %dma_start3A_533 = tpu.memref_slice %arg6[%dma_start3A_519, %dma_start3A_531, %dma_start3A_532] : memref<5x128x128xf32, #tpu.memory_space<vmem>> -> memref<1x64x128xf32, #tpu.memory_space<vmem>>
      %dma_start3A_534 = tpu.memref_squeeze %dma_start3A_533 : memref<1x64x128xf32, #tpu.memory_space<vmem>> -> memref<64x128xf32, #tpu.memory_space<vmem>>
      tpu.enqueue_dma source(%dma_start3A_534 : memref<64x128xf32, #tpu.memory_space<vmem>>) target(%dma_start3A_530 : memref<64x128xf32, #tpu.memory_space<hbm>>) target_semaphore(%dma_start3A_528 : memref<!tpu.dma_semaphore, #tpu.memory_space<semaphore_mem>>)
      %mul3A_535 = arith.constant 5 : i32
      %mul3A_536 = arith.muli %scan3A_98, %mul3A_535 : i32
      %add3A_537 = arith.constant 3 : i32
      %add3A_538 = arith.addi %mul3A_536, %add3A_537 : i32
      %mul3A_539 = arith.constant 128 : i32
      %mul3A_540 = arith.muli %add3A_538, %mul3A_539 : i32
      %add3A_541 = arith.constant 0 : i32
      %add3A_542 = arith.addi %mul3A_540, %add3A_541 : i32
      %dma_wait3A_543 = arith.constant 3 : i32
      %dma_wait3A_544 = arith.constant 3 : i32
      %dma_wait3A_545 = arith.constant 0 : i32
      %dma_wait3A_546 = arith.constant 0 : i32
      %dma_wait3A_547 = tpu.memref_slice %arg6[%dma_wait3A_543, %dma_wait3A_545, %dma_wait3A_546] : memref<5x128x128xf32, #tpu.memory_space<vmem>> -> memref<1x64x128xf32, #tpu.memory_space<vmem>>
      %dma_wait3A_548 = tpu.memref_squeeze %dma_wait3A_547 : memref<1x64x128xf32, #tpu.memory_space<vmem>> -> memref<64x128xf32, #tpu.memory_space<vmem>>
      %dma_wait3A_549 = tpu.memref_slice %arg5[%add3A_542] : memref<6400xi32, #tpu.memory_space<vmem>> -> memref<64xi32, #tpu.memory_space<vmem>>
      %dma_wait3A_550 = arith.constant 0 : i32
      %dma_wait3A_551 = arith.constant 0 : i32
      %dma_wait3A_552 = tpu.memref_slice %arg3[%dma_wait3A_550, %dma_wait3A_551] : memref<100000x128xf32, #tpu.memory_space<hbm>> -> memref<100000x128xf32, #tpu.memory_space<hbm>>
      %dma_wait3A_553 = tpu.memref_slice %arg7[%dma_wait3A_544] : memref<5x!tpu.dma_semaphore, #tpu.memory_space<semaphore_mem>> -> memref<1x!tpu.dma_semaphore, #tpu.memory_space<semaphore_mem>>
      %dma_wait3A_554 = tpu.memref_squeeze %dma_wait3A_553 : memref<1x!tpu.dma_semaphore, #tpu.memory_space<semaphore_mem>> -> memref<!tpu.dma_semaphore, #tpu.memory_space<semaphore_mem>>
      tpu.wait_indirect_dma semaphore(%dma_wait3A_554 : memref<!tpu.dma_semaphore, #tpu.memory_space<semaphore_mem>>) src(%dma_wait3A_552 : memref<100000x128xf32, #tpu.memory_space<hbm>>) dst(%dma_wait3A_548 : memref<64x128xf32, #tpu.memory_space<vmem>>)
      %mul3A_555 = arith.constant 128 : i32
      %mul3A_556 = arith.muli %add3A_538, %mul3A_555 : i32
      %add3A_557 = arith.addi %mul3A_2, %mul3A_556 : i32
      %add3A_558 = arith.constant 0 : i32
      %add3A_559 = arith.addi %add3A_557, %add3A_558 : i32
      %dma_start3A_560 = arith.constant 3 : i32
      %dma_start3A_561 = arith.constant 3 : i32
      %dma_start3A_562 = arith.constant 0 : i32
      %dma_start3A_563 = arith.constant 0 : i32
      %dma_start3A_564 = tpu.memref_slice %arg6[%dma_start3A_560, %dma_start3A_562, %dma_start3A_563] : memref<5x128x128xf32, #tpu.memory_space<vmem>> -> memref<1x64x128xf32, #tpu.memory_space<vmem>>
      %dma_start3A_565 = tpu.memref_squeeze %dma_start3A_564 : memref<1x64x128xf32, #tpu.memory_space<vmem>> -> memref<64x128xf32, #tpu.memory_space<vmem>>
      %dma_start3A_566 = arith.constant 0 : i32
      %dma_start3A_567 = tpu.memref_slice %arg4[%add3A_559, %dma_start3A_566] : memref<204800x128xf32, #tpu.memory_space<hbm>> -> memref<64x128xf32, #tpu.memory_space<hbm>>
      %dma_start3A_568 = tpu.memref_slice %arg9[%dma_start3A_561] : memref<5x!tpu.dma_semaphore, #tpu.memory_space<semaphore_mem>> -> memref<1x!tpu.dma_semaphore, #tpu.memory_space<semaphore_mem>>
      %dma_start3A_569 = tpu.memref_squeeze %dma_start3A_568 : memref<1x!tpu.dma_semaphore, #tpu.memory_space<semaphore_mem>> -> memref<!tpu.dma_semaphore, #tpu.memory_space<semaphore_mem>>
      %dma_start3A_570 = arith.constant 0 : i32
      %dma_start3A_571 = tpu.memref_slice %arg4[%add3A_559, %dma_start3A_570] : memref<204800x128xf32, #tpu.memory_space<hbm>> -> memref<64x128xf32, #tpu.memory_space<hbm>>
      %dma_start3A_572 = arith.constant 0 : i32
      %dma_start3A_573 = arith.constant 0 : i32
      %dma_start3A_574 = tpu.memref_slice %arg6[%dma_start3A_560, %dma_start3A_572, %dma_start3A_573] : memref<5x128x128xf32, #tpu.memory_space<vmem>> -> memref<1x64x128xf32, #tpu.memory_space<vmem>>
      %dma_start3A_575 = tpu.memref_squeeze %dma_start3A_574 : memref<1x64x128xf32, #tpu.memory_space<vmem>> -> memref<64x128xf32, #tpu.memory_space<vmem>>
      tpu.enqueue_dma source(%dma_start3A_575 : memref<64x128xf32, #tpu.memory_space<vmem>>) target(%dma_start3A_571 : memref<64x128xf32, #tpu.memory_space<hbm>>) target_semaphore(%dma_start3A_569 : memref<!tpu.dma_semaphore, #tpu.memory_space<semaphore_mem>>)
      %mul3A_576 = arith.constant 128 : i32
      %mul3A_577 = arith.muli %add3A_538, %mul3A_576 : i32
      %add3A_578 = arith.constant 64 : i32
      %add3A_579 = arith.addi %mul3A_577, %add3A_578 : i32
      %dma_wait3A_580 = arith.constant 3 : i32
      %dma_wait3A_581 = arith.constant 3 : i32
      %dma_wait3A_582 = arith.constant 64 : i32
      %dma_wait3A_583 = arith.constant 0 : i32
      %dma_wait3A_584 = tpu.memref_slice %arg6[%dma_wait3A_580, %dma_wait3A_582, %dma_wait3A_583] : memref<5x128x128xf32, #tpu.memory_space<vmem>> -> memref<1x64x128xf32, #tpu.memory_space<vmem>>
      %dma_wait3A_585 = tpu.memref_squeeze %dma_wait3A_584 : memref<1x64x128xf32, #tpu.memory_space<vmem>> -> memref<64x128xf32, #tpu.memory_space<vmem>>
      %dma_wait3A_586 = tpu.memref_slice %arg5[%add3A_579] : memref<6400xi32, #tpu.memory_space<vmem>> -> memref<64xi32, #tpu.memory_space<vmem>>
      %dma_wait3A_587 = arith.constant 0 : i32
      %dma_wait3A_588 = arith.constant 0 : i32
      %dma_wait3A_589 = tpu.memref_slice %arg3[%dma_wait3A_587, %dma_wait3A_588] : memref<100000x128xf32, #tpu.memory_space<hbm>> -> memref<100000x128xf32, #tpu.memory_space<hbm>>
      %dma_wait3A_590 = tpu.memref_slice %arg8[%dma_wait3A_581] : memref<5x!tpu.dma_semaphore, #tpu.memory_space<semaphore_mem>> -> memref<1x!tpu.dma_semaphore, #tpu.memory_space<semaphore_mem>>
      %dma_wait3A_591 = tpu.memref_squeeze %dma_wait3A_590 : memref<1x!tpu.dma_semaphore, #tpu.memory_space<semaphore_mem>> -> memref<!tpu.dma_semaphore, #tpu.memory_space<semaphore_mem>>
      tpu.wait_indirect_dma semaphore(%dma_wait3A_591 : memref<!tpu.dma_semaphore, #tpu.memory_space<semaphore_mem>>) src(%dma_wait3A_589 : memref<100000x128xf32, #tpu.memory_space<hbm>>) dst(%dma_wait3A_585 : memref<64x128xf32, #tpu.memory_space<vmem>>)
      %mul3A_592 = arith.constant 128 : i32
      %mul3A_593 = arith.muli %add3A_538, %mul3A_592 : i32
      %add3A_594 = arith.addi %mul3A_2, %mul3A_593 : i32
      %add3A_595 = arith.constant 64 : i32
      %add3A_596 = arith.addi %add3A_594, %add3A_595 : i32
      %dma_start3A_597 = arith.constant 3 : i32
      %dma_start3A_598 = arith.constant 3 : i32
      %dma_start3A_599 = arith.constant 64 : i32
      %dma_start3A_600 = arith.constant 0 : i32
      %dma_start3A_601 = tpu.memref_slice %arg6[%dma_start3A_597, %dma_start3A_599, %dma_start3A_600] : memref<5x128x128xf32, #tpu.memory_space<vmem>> -> memref<1x64x128xf32, #tpu.memory_space<vmem>>
      %dma_start3A_602 = tpu.memref_squeeze %dma_start3A_601 : memref<1x64x128xf32, #tpu.memory_space<vmem>> -> memref<64x128xf32, #tpu.memory_space<vmem>>
      %dma_start3A_603 = arith.constant 0 : i32
      %dma_start3A_604 = tpu.memref_slice %arg4[%add3A_596, %dma_start3A_603] : memref<204800x128xf32, #tpu.memory_space<hbm>> -> memref<64x128xf32, #tpu.memory_space<hbm>>
      %dma_start3A_605 = tpu.memref_slice %arg9[%dma_start3A_598] : memref<5x!tpu.dma_semaphore, #tpu.memory_space<semaphore_mem>> -> memref<1x!tpu.dma_semaphore, #tpu.memory_space<semaphore_mem>>
      %dma_start3A_606 = tpu.memref_squeeze %dma_start3A_605 : memref<1x!tpu.dma_semaphore, #tpu.memory_space<semaphore_mem>> -> memref<!tpu.dma_semaphore, #tpu.memory_space<semaphore_mem>>
      %dma_start3A_607 = arith.constant 0 : i32
      %dma_start3A_608 = tpu.memref_slice %arg4[%add3A_596, %dma_start3A_607] : memref<204800x128xf32, #tpu.memory_space<hbm>> -> memref<64x128xf32, #tpu.memory_space<hbm>>
      %dma_start3A_609 = arith.constant 64 : i32
      %dma_start3A_610 = arith.constant 0 : i32
      %dma_start3A_611 = tpu.memref_slice %arg6[%dma_start3A_597, %dma_start3A_609, %dma_start3A_610] : memref<5x128x128xf32, #tpu.memory_space<vmem>> -> memref<1x64x128xf32, #tpu.memory_space<vmem>>
      %dma_start3A_612 = tpu.memref_squeeze %dma_start3A_611 : memref<1x64x128xf32, #tpu.memory_space<vmem>> -> memref<64x128xf32, #tpu.memory_space<vmem>>
      tpu.enqueue_dma source(%dma_start3A_612 : memref<64x128xf32, #tpu.memory_space<vmem>>) target(%dma_start3A_608 : memref<64x128xf32, #tpu.memory_space<hbm>>) target_semaphore(%dma_start3A_606 : memref<!tpu.dma_semaphore, #tpu.memory_space<semaphore_mem>>)
      %mul3A_613 = arith.constant 5 : i32
      %mul3A_614 = arith.muli %scan3A_98, %mul3A_613 : i32
      %add3A_615 = arith.constant 4 : i32
      %add3A_616 = arith.addi %mul3A_614, %add3A_615 : i32
      %mul3A_617 = arith.constant 128 : i32
      %mul3A_618 = arith.muli %add3A_616, %mul3A_617 : i32
      %add3A_619 = arith.constant 0 : i32
      %add3A_620 = arith.addi %mul3A_618, %add3A_619 : i32
      %dma_wait3A_621 = arith.constant 4 : i32
      %dma_wait3A_622 = arith.constant 4 : i32
      %dma_wait3A_623 = arith.constant 0 : i32
      %dma_wait3A_624 = arith.constant 0 : i32
      %dma_wait3A_625 = tpu.memref_slice %arg6[%dma_wait3A_621, %dma_wait3A_623, %dma_wait3A_624] : memref<5x128x128xf32, #tpu.memory_space<vmem>> -> memref<1x64x128xf32, #tpu.memory_space<vmem>>
      %dma_wait3A_626 = tpu.memref_squeeze %dma_wait3A_625 : memref<1x64x128xf32, #tpu.memory_space<vmem>> -> memref<64x128xf32, #tpu.memory_space<vmem>>
      %dma_wait3A_627 = tpu.memref_slice %arg5[%add3A_620] : memref<6400xi32, #tpu.memory_space<vmem>> -> memref<64xi32, #tpu.memory_space<vmem>>
      %dma_wait3A_628 = arith.constant 0 : i32
      %dma_wait3A_629 = arith.constant 0 : i32
      %dma_wait3A_630 = tpu.memref_slice %arg3[%dma_wait3A_628, %dma_wait3A_629] : memref<100000x128xf32, #tpu.memory_space<hbm>> -> memref<100000x128xf32, #tpu.memory_space<hbm>>
      %dma_wait3A_631 = tpu.memref_slice %arg7[%dma_wait3A_622] : memref<5x!tpu.dma_semaphore, #tpu.memory_space<semaphore_mem>> -> memref<1x!tpu.dma_semaphore, #tpu.memory_space<semaphore_mem>>
      %dma_wait3A_632 = tpu.memref_squeeze %dma_wait3A_631 : memref<1x!tpu.dma_semaphore, #tpu.memory_space<semaphore_mem>> -> memref<!tpu.dma_semaphore, #tpu.memory_space<semaphore_mem>>
      tpu.wait_indirect_dma semaphore(%dma_wait3A_632 : memref<!tpu.dma_semaphore, #tpu.memory_space<semaphore_mem>>) src(%dma_wait3A_630 : memref<100000x128xf32, #tpu.memory_space<hbm>>) dst(%dma_wait3A_626 : memref<64x128xf32, #tpu.memory_space<vmem>>)
      %mul3A_633 = arith.constant 128 : i32
      %mul3A_634 = arith.muli %add3A_616, %mul3A_633 : i32
      %add3A_635 = arith.addi %mul3A_2, %mul3A_634 : i32
      %add3A_636 = arith.constant 0 : i32
      %add3A_637 = arith.addi %add3A_635, %add3A_636 : i32
      %dma_start3A_638 = arith.constant 4 : i32
      %dma_start3A_639 = arith.constant 4 : i32
      %dma_start3A_640 = arith.constant 0 : i32
      %dma_start3A_641 = arith.constant 0 : i32
      %dma_start3A_642 = tpu.memref_slice %arg6[%dma_start3A_638, %dma_start3A_640, %dma_start3A_641] : memref<5x128x128xf32, #tpu.memory_space<vmem>> -> memref<1x64x128xf32, #tpu.memory_space<vmem>>
      %dma_start3A_643 = tpu.memref_squeeze %dma_start3A_642 : memref<1x64x128xf32, #tpu.memory_space<vmem>> -> memref<64x128xf32, #tpu.memory_space<vmem>>
      %dma_start3A_644 = arith.constant 0 : i32
      %dma_start3A_645 = tpu.memref_slice %arg4[%add3A_637, %dma_start3A_644] : memref<204800x128xf32, #tpu.memory_space<hbm>> -> memref<64x128xf32, #tpu.memory_space<hbm>>
      %dma_start3A_646 = tpu.memref_slice %arg9[%dma_start3A_639] : memref<5x!tpu.dma_semaphore, #tpu.memory_space<semaphore_mem>> -> memref<1x!tpu.dma_semaphore, #tpu.memory_space<semaphore_mem>>
      %dma_start3A_647 = tpu.memref_squeeze %dma_start3A_646 : memref<1x!tpu.dma_semaphore, #tpu.memory_space<semaphore_mem>> -> memref<!tpu.dma_semaphore, #tpu.memory_space<semaphore_mem>>
      %dma_start3A_648 = arith.constant 0 : i32
      %dma_start3A_649 = tpu.memref_slice %arg4[%add3A_637, %dma_start3A_648] : memref<204800x128xf32, #tpu.memory_space<hbm>> -> memref<64x128xf32, #tpu.memory_space<hbm>>
      %dma_start3A_650 = arith.constant 0 : i32
      %dma_start3A_651 = arith.constant 0 : i32
      %dma_start3A_652 = tpu.memref_slice %arg6[%dma_start3A_638, %dma_start3A_650, %dma_start3A_651] : memref<5x128x128xf32, #tpu.memory_space<vmem>> -> memref<1x64x128xf32, #tpu.memory_space<vmem>>
      %dma_start3A_653 = tpu.memref_squeeze %dma_start3A_652 : memref<1x64x128xf32, #tpu.memory_space<vmem>> -> memref<64x128xf32, #tpu.memory_space<vmem>>
      tpu.enqueue_dma source(%dma_start3A_653 : memref<64x128xf32, #tpu.memory_space<vmem>>) target(%dma_start3A_649 : memref<64x128xf32, #tpu.memory_space<hbm>>) target_semaphore(%dma_start3A_647 : memref<!tpu.dma_semaphore, #tpu.memory_space<semaphore_mem>>)
      %mul3A_654 = arith.constant 128 : i32
      %mul3A_655 = arith.muli %add3A_616, %mul3A_654 : i32
      %add3A_656 = arith.constant 64 : i32
      %add3A_657 = arith.addi %mul3A_655, %add3A_656 : i32
      %dma_wait3A_658 = arith.constant 4 : i32
      %dma_wait3A_659 = arith.constant 4 : i32
      %dma_wait3A_660 = arith.constant 64 : i32
      %dma_wait3A_661 = arith.constant 0 : i32
      %dma_wait3A_662 = tpu.memref_slice %arg6[%dma_wait3A_658, %dma_wait3A_660, %dma_wait3A_661] : memref<5x128x128xf32, #tpu.memory_space<vmem>> -> memref<1x64x128xf32, #tpu.memory_space<vmem>>
      %dma_wait3A_663 = tpu.memref_squeeze %dma_wait3A_662 : memref<1x64x128xf32, #tpu.memory_space<vmem>> -> memref<64x128xf32, #tpu.memory_space<vmem>>
      %dma_wait3A_664 = tpu.memref_slice %arg5[%add3A_657] : memref<6400xi32, #tpu.memory_space<vmem>> -> memref<64xi32, #tpu.memory_space<vmem>>
      %dma_wait3A_665 = arith.constant 0 : i32
      %dma_wait3A_666 = arith.constant 0 : i32
      %dma_wait3A_667 = tpu.memref_slice %arg3[%dma_wait3A_665, %dma_wait3A_666] : memref<100000x128xf32, #tpu.memory_space<hbm>> -> memref<100000x128xf32, #tpu.memory_space<hbm>>
      %dma_wait3A_668 = tpu.memref_slice %arg8[%dma_wait3A_659] : memref<5x!tpu.dma_semaphore, #tpu.memory_space<semaphore_mem>> -> memref<1x!tpu.dma_semaphore, #tpu.memory_space<semaphore_mem>>
      %dma_wait3A_669 = tpu.memref_squeeze %dma_wait3A_668 : memref<1x!tpu.dma_semaphore, #tpu.memory_space<semaphore_mem>> -> memref<!tpu.dma_semaphore, #tpu.memory_space<semaphore_mem>>
      tpu.wait_indirect_dma semaphore(%dma_wait3A_669 : memref<!tpu.dma_semaphore, #tpu.memory_space<semaphore_mem>>) src(%dma_wait3A_667 : memref<100000x128xf32, #tpu.memory_space<hbm>>) dst(%dma_wait3A_663 : memref<64x128xf32, #tpu.memory_space<vmem>>)
      %mul3A_670 = arith.constant 128 : i32
      %mul3A_671 = arith.muli %add3A_616, %mul3A_670 : i32
      %add3A_672 = arith.addi %mul3A_2, %mul3A_671 : i32
      %add3A_673 = arith.constant 64 : i32
      %add3A_674 = arith.addi %add3A_672, %add3A_673 : i32
      %dma_start3A_675 = arith.constant 4 : i32
      %dma_start3A_676 = arith.constant 4 : i32
      %dma_start3A_677 = arith.constant 64 : i32
      %dma_start3A_678 = arith.constant 0 : i32
      %dma_start3A_679 = tpu.memref_slice %arg6[%dma_start3A_675, %dma_start3A_677, %dma_start3A_678] : memref<5x128x128xf32, #tpu.memory_space<vmem>> -> memref<1x64x128xf32, #tpu.memory_space<vmem>>
      %dma_start3A_680 = tpu.memref_squeeze %dma_start3A_679 : memref<1x64x128xf32, #tpu.memory_space<vmem>> -> memref<64x128xf32, #tpu.memory_space<vmem>>
      %dma_start3A_681 = arith.constant 0 : i32
      %dma_start3A_682 = tpu.memref_slice %arg4[%add3A_674, %dma_start3A_681] : memref<204800x128xf32, #tpu.memory_space<hbm>> -> memref<64x128xf32, #tpu.memory_space<hbm>>
      %dma_start3A_683 = tpu.memref_slice %arg9[%dma_start3A_676] : memref<5x!tpu.dma_semaphore, #tpu.memory_space<semaphore_mem>> -> memref<1x!tpu.dma_semaphore, #tpu.memory_space<semaphore_mem>>
      %dma_start3A_684 = tpu.memref_squeeze %dma_start3A_683 : memref<1x!tpu.dma_semaphore, #tpu.memory_space<semaphore_mem>> -> memref<!tpu.dma_semaphore, #tpu.memory_space<semaphore_mem>>
      %dma_start3A_685 = arith.constant 0 : i32
      %dma_start3A_686 = tpu.memref_slice %arg4[%add3A_674, %dma_start3A_685] : memref<204800x128xf32, #tpu.memory_space<hbm>> -> memref<64x128xf32, #tpu.memory_space<hbm>>
      %dma_start3A_687 = arith.constant 64 : i32
      %dma_start3A_688 = arith.constant 0 : i32
      %dma_start3A_689 = tpu.memref_slice %arg6[%dma_start3A_675, %dma_start3A_687, %dma_start3A_688] : memref<5x128x128xf32, #tpu.memory_space<vmem>> -> memref<1x64x128xf32, #tpu.memory_space<vmem>>
      %dma_start3A_690 = tpu.memref_squeeze %dma_start3A_689 : memref<1x64x128xf32, #tpu.memory_space<vmem>> -> memref<64x128xf32, #tpu.memory_space<vmem>>
      tpu.enqueue_dma source(%dma_start3A_690 : memref<64x128xf32, #tpu.memory_space<vmem>>) target(%dma_start3A_686 : memref<64x128xf32, #tpu.memory_space<hbm>>) target_semaphore(%dma_start3A_684 : memref<!tpu.dma_semaphore, #tpu.memory_space<semaphore_mem>>)
      %scan3A_691 = arith.constant 0 : i32
      scf.yield %scan3A_691 : i32
    }
    %scan3A_8 = arith.constant 10 : i32
    %dma_wait3A = arith.constant 0 : i32
    %dma_wait3A_9 = arith.constant 0 : i32
    %dma_wait3A_10 = arith.constant 0 : i32
    %dma_wait3A_11 = arith.constant 0 : i32
    %dma_wait3A_12 = tpu.memref_slice %arg6[%dma_wait3A, %dma_wait3A_10, %dma_wait3A_11] : memref<5x128x128xf32, #tpu.memory_space<vmem>> -> memref<1x128x128xf32, #tpu.memory_space<vmem>>
    %dma_wait3A_13 = tpu.memref_squeeze %dma_wait3A_12 : memref<1x128x128xf32, #tpu.memory_space<vmem>> -> memref<128x128xf32, #tpu.memory_space<vmem>>
    %dma_wait3A_14 = arith.constant 0 : i32
    %dma_wait3A_15 = arith.constant 0 : i32
    %dma_wait3A_16 = tpu.memref_slice %arg4[%dma_wait3A_14, %dma_wait3A_15] : memref<204800x128xf32, #tpu.memory_space<hbm>> -> memref<128x128xf32, #tpu.memory_space<hbm>>
    %dma_wait3A_17 = tpu.memref_slice %arg9[%dma_wait3A_9] : memref<5x!tpu.dma_semaphore, #tpu.memory_space<semaphore_mem>> -> memref<1x!tpu.dma_semaphore, #tpu.memory_space<semaphore_mem>>
    %dma_wait3A_18 = tpu.memref_squeeze %dma_wait3A_17 : memref<1x!tpu.dma_semaphore, #tpu.memory_space<semaphore_mem>> -> memref<!tpu.dma_semaphore, #tpu.memory_space<semaphore_mem>>
    %dma_wait3A_19 = arith.constant 0 : i32
    %dma_wait3A_20 = arith.constant 0 : i32
    %dma_wait3A_21 = tpu.memref_slice %arg4[%dma_wait3A_19, %dma_wait3A_20] : memref<204800x128xf32, #tpu.memory_space<hbm>> -> memref<128x128xf32, #tpu.memory_space<hbm>>
    %dma_wait3A_22 = arith.constant 0 : i32
    %dma_wait3A_23 = arith.constant 0 : i32
    %dma_wait3A_24 = tpu.memref_slice %arg6[%dma_wait3A, %dma_wait3A_22, %dma_wait3A_23] : memref<5x128x128xf32, #tpu.memory_space<vmem>> -> memref<1x128x128xf32, #tpu.memory_space<vmem>>
    %dma_wait3A_25 = tpu.memref_squeeze %dma_wait3A_24 : memref<1x128x128xf32, #tpu.memory_space<vmem>> -> memref<128x128xf32, #tpu.memory_space<vmem>>
    tpu.wait_dma2 semaphore(%dma_wait3A_18 : memref<!tpu.dma_semaphore, #tpu.memory_space<semaphore_mem>>) src(%dma_wait3A_25 : memref<128x128xf32, #tpu.memory_space<vmem>>) dst(%dma_wait3A_21 : memref<128x128xf32, #tpu.memory_space<hbm>>)
    %dma_wait3A_26 = arith.constant 1 : i32
    %dma_wait3A_27 = arith.constant 1 : i32
    %dma_wait3A_28 = arith.constant 0 : i32
    %dma_wait3A_29 = arith.constant 0 : i32
    %dma_wait3A_30 = tpu.memref_slice %arg6[%dma_wait3A_26, %dma_wait3A_28, %dma_wait3A_29] : memref<5x128x128xf32, #tpu.memory_space<vmem>> -> memref<1x128x128xf32, #tpu.memory_space<vmem>>
    %dma_wait3A_31 = tpu.memref_squeeze %dma_wait3A_30 : memref<1x128x128xf32, #tpu.memory_space<vmem>> -> memref<128x128xf32, #tpu.memory_space<vmem>>
    %dma_wait3A_32 = arith.constant 0 : i32
    %dma_wait3A_33 = arith.constant 0 : i32
    %dma_wait3A_34 = tpu.memref_slice %arg4[%dma_wait3A_32, %dma_wait3A_33] : memref<204800x128xf32, #tpu.memory_space<hbm>> -> memref<128x128xf32, #tpu.memory_space<hbm>>
    %dma_wait3A_35 = tpu.memref_slice %arg9[%dma_wait3A_27] : memref<5x!tpu.dma_semaphore, #tpu.memory_space<semaphore_mem>> -> memref<1x!tpu.dma_semaphore, #tpu.memory_space<semaphore_mem>>
    %dma_wait3A_36 = tpu.memref_squeeze %dma_wait3A_35 : memref<1x!tpu.dma_semaphore, #tpu.memory_space<semaphore_mem>> -> memref<!tpu.dma_semaphore, #tpu.memory_space<semaphore_mem>>
    %dma_wait3A_37 = arith.constant 0 : i32
    %dma_wait3A_38 = arith.constant 0 : i32
    %dma_wait3A_39 = tpu.memref_slice %arg4[%dma_wait3A_37, %dma_wait3A_38] : memref<204800x128xf32, #tpu.memory_space<hbm>> -> memref<128x128xf32, #tpu.memory_space<hbm>>
    %dma_wait3A_40 = arith.constant 0 : i32
    %dma_wait3A_41 = arith.constant 0 : i32
    %dma_wait3A_42 = tpu.memref_slice %arg6[%dma_wait3A_26, %dma_wait3A_40, %dma_wait3A_41] : memref<5x128x128xf32, #tpu.memory_space<vmem>> -> memref<1x128x128xf32, #tpu.memory_space<vmem>>
    %dma_wait3A_43 = tpu.memref_squeeze %dma_wait3A_42 : memref<1x128x128xf32, #tpu.memory_space<vmem>> -> memref<128x128xf32, #tpu.memory_space<vmem>>
    tpu.wait_dma2 semaphore(%dma_wait3A_36 : memref<!tpu.dma_semaphore, #tpu.memory_space<semaphore_mem>>) src(%dma_wait3A_43 : memref<128x128xf32, #tpu.memory_space<vmem>>) dst(%dma_wait3A_39 : memref<128x128xf32, #tpu.memory_space<hbm>>)
    %dma_wait3A_44 = arith.constant 2 : i32
    %dma_wait3A_45 = arith.constant 2 : i32
    %dma_wait3A_46 = arith.constant 0 : i32
    %dma_wait3A_47 = arith.constant 0 : i32
    %dma_wait3A_48 = tpu.memref_slice %arg6[%dma_wait3A_44, %dma_wait3A_46, %dma_wait3A_47] : memref<5x128x128xf32, #tpu.memory_space<vmem>> -> memref<1x128x128xf32, #tpu.memory_space<vmem>>
    %dma_wait3A_49 = tpu.memref_squeeze %dma_wait3A_48 : memref<1x128x128xf32, #tpu.memory_space<vmem>> -> memref<128x128xf32, #tpu.memory_space<vmem>>
    %dma_wait3A_50 = arith.constant 0 : i32
    %dma_wait3A_51 = arith.constant 0 : i32
    %dma_wait3A_52 = tpu.memref_slice %arg4[%dma_wait3A_50, %dma_wait3A_51] : memref<204800x128xf32, #tpu.memory_space<hbm>> -> memref<128x128xf32, #tpu.memory_space<hbm>>
    %dma_wait3A_53 = tpu.memref_slice %arg9[%dma_wait3A_45] : memref<5x!tpu.dma_semaphore, #tpu.memory_space<semaphore_mem>> -> memref<1x!tpu.dma_semaphore, #tpu.memory_space<semaphore_mem>>
    %dma_wait3A_54 = tpu.memref_squeeze %dma_wait3A_53 : memref<1x!tpu.dma_semaphore, #tpu.memory_space<semaphore_mem>> -> memref<!tpu.dma_semaphore, #tpu.memory_space<semaphore_mem>>
    %dma_wait3A_55 = arith.constant 0 : i32
    %dma_wait3A_56 = arith.constant 0 : i32
    %dma_wait3A_57 = tpu.memref_slice %arg4[%dma_wait3A_55, %dma_wait3A_56] : memref<204800x128xf32, #tpu.memory_space<hbm>> -> memref<128x128xf32, #tpu.memory_space<hbm>>
    %dma_wait3A_58 = arith.constant 0 : i32
    %dma_wait3A_59 = arith.constant 0 : i32
    %dma_wait3A_60 = tpu.memref_slice %arg6[%dma_wait3A_44, %dma_wait3A_58, %dma_wait3A_59] : memref<5x128x128xf32, #tpu.memory_space<vmem>> -> memref<1x128x128xf32, #tpu.memory_space<vmem>>
    %dma_wait3A_61 = tpu.memref_squeeze %dma_wait3A_60 : memref<1x128x128xf32, #tpu.memory_space<vmem>> -> memref<128x128xf32, #tpu.memory_space<vmem>>
    tpu.wait_dma2 semaphore(%dma_wait3A_54 : memref<!tpu.dma_semaphore, #tpu.memory_space<semaphore_mem>>) src(%dma_wait3A_61 : memref<128x128xf32, #tpu.memory_space<vmem>>) dst(%dma_wait3A_57 : memref<128x128xf32, #tpu.memory_space<hbm>>)
    %dma_wait3A_62 = arith.constant 3 : i32
    %dma_wait3A_63 = arith.constant 3 : i32
    %dma_wait3A_64 = arith.constant 0 : i32
    %dma_wait3A_65 = arith.constant 0 : i32
    %dma_wait3A_66 = tpu.memref_slice %arg6[%dma_wait3A_62, %dma_wait3A_64, %dma_wait3A_65] : memref<5x128x128xf32, #tpu.memory_space<vmem>> -> memref<1x128x128xf32, #tpu.memory_space<vmem>>
    %dma_wait3A_67 = tpu.memref_squeeze %dma_wait3A_66 : memref<1x128x128xf32, #tpu.memory_space<vmem>> -> memref<128x128xf32, #tpu.memory_space<vmem>>
    %dma_wait3A_68 = arith.constant 0 : i32
    %dma_wait3A_69 = arith.constant 0 : i32
    %dma_wait3A_70 = tpu.memref_slice %arg4[%dma_wait3A_68, %dma_wait3A_69] : memref<204800x128xf32, #tpu.memory_space<hbm>> -> memref<128x128xf32, #tpu.memory_space<hbm>>
    %dma_wait3A_71 = tpu.memref_slice %arg9[%dma_wait3A_63] : memref<5x!tpu.dma_semaphore, #tpu.memory_space<semaphore_mem>> -> memref<1x!tpu.dma_semaphore, #tpu.memory_space<semaphore_mem>>
    %dma_wait3A_72 = tpu.memref_squeeze %dma_wait3A_71 : memref<1x!tpu.dma_semaphore, #tpu.memory_space<semaphore_mem>> -> memref<!tpu.dma_semaphore, #tpu.memory_space<semaphore_mem>>
    %dma_wait3A_73 = arith.constant 0 : i32
    %dma_wait3A_74 = arith.constant 0 : i32
    %dma_wait3A_75 = tpu.memref_slice %arg4[%dma_wait3A_73, %dma_wait3A_74] : memref<204800x128xf32, #tpu.memory_space<hbm>> -> memref<128x128xf32, #tpu.memory_space<hbm>>
    %dma_wait3A_76 = arith.constant 0 : i32
    %dma_wait3A_77 = arith.constant 0 : i32
    %dma_wait3A_78 = tpu.memref_slice %arg6[%dma_wait3A_62, %dma_wait3A_76, %dma_wait3A_77] : memref<5x128x128xf32, #tpu.memory_space<vmem>> -> memref<1x128x128xf32, #tpu.memory_space<vmem>>
    %dma_wait3A_79 = tpu.memref_squeeze %dma_wait3A_78 : memref<1x128x128xf32, #tpu.memory_space<vmem>> -> memref<128x128xf32, #tpu.memory_space<vmem>>
    tpu.wait_dma2 semaphore(%dma_wait3A_72 : memref<!tpu.dma_semaphore, #tpu.memory_space<semaphore_mem>>) src(%dma_wait3A_79 : memref<128x128xf32, #tpu.memory_space<vmem>>) dst(%dma_wait3A_75 : memref<128x128xf32, #tpu.memory_space<hbm>>)
    %dma_wait3A_80 = arith.constant 4 : i32
    %dma_wait3A_81 = arith.constant 4 : i32
    %dma_wait3A_82 = arith.constant 0 : i32
    %dma_wait3A_83 = arith.constant 0 : i32
    %dma_wait3A_84 = tpu.memref_slice %arg6[%dma_wait3A_80, %dma_wait3A_82, %dma_wait3A_83] : memref<5x128x128xf32, #tpu.memory_space<vmem>> -> memref<1x128x128xf32, #tpu.memory_space<vmem>>
    %dma_wait3A_85 = tpu.memref_squeeze %dma_wait3A_84 : memref<1x128x128xf32, #tpu.memory_space<vmem>> -> memref<128x128xf32, #tpu.memory_space<vmem>>
    %dma_wait3A_86 = arith.constant 0 : i32
    %dma_wait3A_87 = arith.constant 0 : i32
    %dma_wait3A_88 = tpu.memref_slice %arg4[%dma_wait3A_86, %dma_wait3A_87] : memref<204800x128xf32, #tpu.memory_space<hbm>> -> memref<128x128xf32, #tpu.memory_space<hbm>>
    %dma_wait3A_89 = tpu.memref_slice %arg9[%dma_wait3A_81] : memref<5x!tpu.dma_semaphore, #tpu.memory_space<semaphore_mem>> -> memref<1x!tpu.dma_semaphore, #tpu.memory_space<semaphore_mem>>
    %dma_wait3A_90 = tpu.memref_squeeze %dma_wait3A_89 : memref<1x!tpu.dma_semaphore, #tpu.memory_space<semaphore_mem>> -> memref<!tpu.dma_semaphore, #tpu.memory_space<semaphore_mem>>
    %dma_wait3A_91 = arith.constant 0 : i32
    %dma_wait3A_92 = arith.constant 0 : i32
    %dma_wait3A_93 = tpu.memref_slice %arg4[%dma_wait3A_91, %dma_wait3A_92] : memref<204800x128xf32, #tpu.memory_space<hbm>> -> memref<128x128xf32, #tpu.memory_space<hbm>>
    %dma_wait3A_94 = arith.constant 0 : i32
    %dma_wait3A_95 = arith.constant 0 : i32
    %dma_wait3A_96 = tpu.memref_slice %arg6[%dma_wait3A_80, %dma_wait3A_94, %dma_wait3A_95] : memref<5x128x128xf32, #tpu.memory_space<vmem>> -> memref<1x128x128xf32, #tpu.memory_space<vmem>>
    %dma_wait3A_97 = tpu.memref_squeeze %dma_wait3A_96 : memref<1x128x128xf32, #tpu.memory_space<vmem>> -> memref<128x128xf32, #tpu.memory_space<vmem>>
    tpu.wait_dma2 semaphore(%dma_wait3A_90 : memref<!tpu.dma_semaphore, #tpu.memory_space<semaphore_mem>>) src(%dma_wait3A_97 : memref<128x128xf32, #tpu.memory_space<vmem>>) dst(%dma_wait3A_93 : memref<128x128xf32, #tpu.memory_space<hbm>>)
    return
  }
}

</mosaic_0001>

<sc_bundles>
// kernel: kernel.3.cloned.1.call-start
scs
__scs_entry_jumppad:
0x0: {  	(pc) =	sbr.rel $0x88, $3  }
0x1: {  	(tag) =	ssettag $0x0;
	lr =	simm.s32 $0x1  }
0x2: {  	[smem:$0x3F9F] =	sst lr;
	_ =	strace $0xD0000000  }
0x3: {  	_ = 	snop  }
0x4: {  	_ = 	snop  }
0x5: {  	_ = 	snop  }
0x6: {  	_ = 	snop  }
0x7: {  	_ = 	snop  }
__scs_overlays_trampoline_lowered:
0x8: {  	[smem:$0x3FAE] =	sst s0  }
0x9: {  	[smem:$0x3FAF] =	sst s1  }
0xa: {  	[smem:$0x3FB0] =	sst s2  }
0xb: {  	[smem:$0x3FB1] =	sst s3  }
0xc: {  	[smem:$0x3FB2] =	sst s4  }
0xd: {  	[smem:$0x3FB3] =	sst s5  }
0xe: {  	[smem:$0x3FB4] =	sst s6  }
0xf: {  	[smem:$0x3FB5] =	sst s7  }
0x10: {  	[smem:$0x3FB6] =	sst s8  }
0x11: {  	[smem:$0x3FB7] =	sst s9;
	s0 =	simm.s32 @!p0 $0x0  }
0x12: {  	s1 =	sld [smem:$0x3F9D];
	s0 =	simm.s32 @p0 $0x1  }
0x13: {  	[smem:$0x3FB8] =	sst s0;
	s0 =	simm.s32 @!p1 $0x0  }
0x14: {  	s2 =	sld [smem:$0x3F9C];
	s0 =	simm.s32 @p1 $0x1  }
0x15: {  	[smem:$0x3FB9] =	sst s0;
	s0 =	simm.s32 @!p2 $0x0  }
0x16: {  	s3 =	sld [smem:$0x3FDB];
	s0 =	simm.s32 @p2 $0x1  }
0x17: {  	s4 =	simm.s32 $0x1BF5;
	[smem:$0x3FBB] =	sst s0  }
0x18: {  	s0 =	sld [smem:$0x3F9E];
	_ =	swait.ge [sflag:s4], $0x0  }
0x19: {  	s7 =	sld [smem:$0x3F9F]  }
0x1a: {  	s8 =	sadd.s32 $0xFFFFE003, lr  }
0x1b: {  	s9 =	sadd.s32 $0xFFFFFEF7, lr;
	s5 =	simm.s32 $0xFFFFFFFF;
	p2 =	slt.u32 s8, $0xFFFFF086  }
0x1c: {  	p1 =	slt.u32 s9, $0xF7A;
	s5 =	simm.s32 @!p2 $0x0  }
0x1d: {  	s5 =	simm.s32 @p1 $0x1;
	p0 =	seq.s32 s7, s2  }
0x1e: {  	s7 =	smul.u32 @!p0 $0xF7A, s2;
	p2 =	seq.s32 @!p0 s5, $0x0  }
0x1f: {  	s9 =	smul.u32 $0xF7A, s1;
	s8 =	simm.s32 @!p0 $0x1BF5;
	p2 =	por !p2, p0  }
0x20: {  	[sflag:s8] =	ssyncset.s32 @!p0 $0xFFFFF086;
	s6 =	sadd.s32 @!p0 s3, s7;
	s7 =	simm.s32 @!p0 $0x108  }
0x21: {  	s3 =	sadd.s32 s3, s9;
	s6 =	sadd.s32 @!p0 $0x88, s6;
	s7 =	simm.s32 @p2 $0x1082  }
0x22: {  	[simem:s7], [sflag:s8] =	dma.local @!p0 [hbm:s6], $0xF7A  }
0x23: {  	s9 =	sor.u32 $0xD0000000, s2;
	s6 =	simm.s32 $0x108;
	_ =	swait.ge @!p0 [sflag:s8], $0x0  }
0x24: {  	s3 =	sadd.s32 $0x88, s3;
	s6 =	simm.s32 @!p1 $0x1082;
	[sflag:s4] =	ssyncset.s32 $0xFFFFF086  }
0x25: {  	[simem:s6], [sflag:s4] =	dma.local [hbm:s3], $0xF7A  }
0x26: {  	[smem:$0x3F9F] =	sst s1;
	(tag) =	ssettag s2;
	_ =	strace s9  }
0x27: {  	s1 =	sld [smem:$0x3FAF]  }
0x28: {  	s2 =	sld [smem:$0x3FB0]  }
0x29: {  	s4 =	sld [smem:$0x3FB2]  }
0x2a: {  	p0 =	seq.s32 s5, $0x0;
	s5 =	sld [smem:$0x3FB3]  }
0x2b: {  	s6 =	sld [smem:$0x3FB4]  }
0x2c: {  	s7 =	sld [smem:$0x3FB5]  }
0x2d: {  	s3 =	simm.s32 $0x108;
	s8 =	sld [smem:$0x3FB6]  }
0x2e: {  	s3 =	simm.s32 @!p0 $0x1082;
	s9 =	sld [smem:$0x3FB7]  }
0x2f: {  	lr =	sadd.s32 s0, s3;
	s0 =	sld [smem:$0x3FAE]  }
0x30: {  	s3 =	sld [smem:$0x3FB1]  }
0x31: {  	[smem:$0x3FBA] =	sst s10  }
0x32: {  	s10 =	sld [smem:$0x3FB8];
	_ =	sdelay $0x3  }
0x33: {  	p0 =	seq.s32 s10, $0x1;
	s10 =	sld [smem:$0x3FBA];
	_ =	sdelay $0x3  }
0x34: {  	[smem:$0x3FBA] =	sst s10  }
0x35: {  	s10 =	sld [smem:$0x3FB9];
	_ =	sdelay $0x3  }
0x36: {  	p1 =	seq.s32 s10, $0x1;
	s10 =	sld [smem:$0x3FBA];
	_ =	sdelay $0x3  }
0x37: {  	[smem:$0x3FBA] =	sst s10  }
0x38: {  	s10 =	sld [smem:$0x3FBB]  }
0x39: {  	_ = 	snop;
	(pc) =	sbr.ind lr, $3  }
0x3a: {  	_ = 	snop  }
0x3b: {  	_ = 	snop  }
0x3c: {  	p2 =	seq.s32 s10, $0x1;
	s10 =	sld [smem:$0x3FBA]  }
0x3d: {  	_ =	shalt  }
0x3e: {  	_ =	shalt  }
0x3f: {  	_ =	shalt  }
0x40: {  	_ =	shalt  }
0x41: {  	_ =	shalt  }
0x42: {  	_ =	shalt  }
0x43: {  	_ =	shalt  }
0x44: {  	_ =	shalt  }
0x45: {  	_ =	shalt  }
0x46: {  	_ =	shalt  }
0x47: {  	_ =	shalt  }
0x48: {  	_ =	shalt  }
0x49: {  	_ =	shalt  }
0x4a: {  	_ =	shalt  }
0x4b: {  	_ =	shalt  }
0x4c: {  	_ =	shalt  }
0x4d: {  	_ =	shalt  }
0x4e: {  	_ =	shalt  }
0x4f: {  	_ =	shalt  }
0x50: {  	_ =	shalt  }
0x51: {  	_ =	shalt  }
0x52: {  	_ =	shalt  }
0x53: {  	_ =	shalt  }
0x54: {  	_ =	shalt  }
0x55: {  	_ =	shalt  }
0x56: {  	_ =	shalt  }
0x57: {  	_ =	shalt  }
0x58: {  	_ =	shalt  }
0x59: {  	_ =	shalt  }
0x5a: {  	_ =	shalt  }
0x5b: {  	_ =	shalt  }
0x5c: {  	_ =	shalt  }
0x5d: {  	_ =	shalt  }
0x5e: {  	_ =	shalt  }
0x5f: {  	_ =	shalt  }
0x60: {  	_ =	shalt  }
0x61: {  	_ =	shalt  }
0x62: {  	_ =	shalt  }
0x63: {  	_ =	shalt  }
0x64: {  	_ =	shalt  }
0x65: {  	_ =	shalt  }
0x66: {  	_ =	shalt  }
0x67: {  	_ =	shalt  }
0x68: {  	_ =	shalt  }
0x69: {  	_ =	shalt  }
0x6a: {  	_ =	shalt  }
0x6b: {  	_ =	shalt  }
0x6c: {  	_ =	shalt  }
0x6d: {  	_ =	shalt  }
0x6e: {  	_ =	shalt  }
0x6f: {  	_ =	shalt  }
0x70: {  	_ =	shalt  }
0x71: {  	_ =	shalt  }
0x72: {  	_ =	shalt  }
0x73: {  	_ =	shalt  }
0x74: {  	_ =	shalt  }
0x75: {  	_ =	shalt  }
0x76: {  	_ =	shalt  }
0x77: {  	_ =	shalt  }
0x78: {  	_ =	shalt  }
0x79: {  	_ =	shalt  }
0x7a: {  	_ =	shalt  }
0x7b: {  	_ =	shalt  }
0x7c: {  	_ =	shalt  }
0x7d: {  	_ =	shalt  }
0x7e: {  	_ =	shalt  }
0x7f: {  	_ =	shalt  }
0x80: {  	_ =	shalt  }
0x81: {  	_ =	shalt  }
0x82: {  	_ =	shalt  }
0x83: {  	_ =	shalt  }
0x84: {  	_ =	shalt  }
0x85: {  	_ =	shalt  }
0x86: {  	_ =	shalt  }
0x87: {  	_ =	shalt  }
.Lfunc_end0:
.L_simem_size_0:
called_computation_lowered:
.L_overlay_start_0:
0x88: {  	s2 =	sld [smem:$0x3FD9]  }
0x89: {  	s3 =	sld [smem:$0x3FFE];
	_ =	sdelay $0x1  }
0x8a: {  	s1 =	srdreg.scid  }
0x8b: {  	s0 =	sand.u32 $0x1, s1  }
0x8c: {  	s18 =	sshll.u32 s0, $0xA;
	s2 =	sadd.s32 s3, s2  }
0x8d: {  	s2 =	sadd.s32 s2, s18  }
0x8e: {  	[smem:$0x3FC6] =	sst s2  }
0x8f: {  	_ = 	snop  }
0x90: {  	s2 =	sld [smem:$0x3FC9]  }
0x91: {  	s19 =	sld [smem:$0x3FC8]  }
0x92: {  	s4 =	sld [smem:$0x3FD0];
	(tm) =	ssettm $0x1  }
0x93: {  	s5 =	sld [smem:$0x3FFB];
	_ =	sdelay $0x3  }
0x94: {  	_ =	strace s5  }
0x95: {  	s5 =	sld [smem:$0x3FFC];
	_ =	sdelay $0x3  }
0x96: {  	_ =	strace s5  }
0x97: {  	s5 =	sld [smem:$0x3FFD];
	_ =	sdelay $0x3  }
0x98: {  	_ =	strace s5  }
0x99: {  	_ =	strace $0x8FFFFFFF  }
0x9a: {  	s20 =	sld [smem:$0x3FDB];
	_ =	sdelay $0x1  }
0x9b: {  	s6 =	simm.s32 $_scs_section_size  }
0x9c: {  	s7 =	simm.s32 $_size__tile_overlayer_lowered;
	s8 =	simm.s32 $_tile_overlayer_lowered  }
0x9d: {  	s23 =	simm.s32 $0x1BFF;
	s22 =	sshll.u32 s8, $0x1;
	s5 =	sadd.s32 s6, s20  }
0x9e: {  	s9 =	simm.s32 $0x0;
	s21 =	sshll.u32 s7, $0x1;
	s7 =	sadd.s32 s22, s5  }
0x9f: {  	[timem:s9], [sflag:s23] =	dma.local [hbm:s7], s21  }
0xa0: {  	_ =	swait.ge [sflag:s23], s21  }
0xa1: {  	s6 =	ssub.s32 $0x0, s21;
	[sflag:s23] =	ssyncset.done $0x0  }
0xa2: {  	[sflag:s23] =	ssyncadd.s32 s6;
	_ =	sdelay $0x1  }
0xa3: {  	s24 =	simm.s32 $0x1B8B  }
0xa4: {  	_ =	swait.ge [sflag:s24], $0x1  }
0xa5: {  	[sflag:s24] =	ssyncset.done $0x0  }
0xa6: {  	s25 =	simm.s32 $0x1B8E;
	[sflag:s24] =	ssyncadd.s32 $0xFFFFFFFF  }
0xa7: {  	s26 =	simm.s32 $execute0_lowered;
	[smem:$0x3FD2] =	sst s25  }
0xa8: {  	s6 =	sshll.u32 s26, $0x1;
	_ =	strace $0x80000046;
	[dreg:$0x1] =	wrdreg $0xFFFFFFFF  }
0xa9: {  	s28 =	simm.s32 $_size_execute0_lowered;
	s5 =	sadd.s32 s5, s6;
	[dreg:$0x0] =	wrdreg $0x0  }
0xaa: {  	s6 =	sshll.u32 s28, $0x1;
	[dreg:$0x2] =	wrdreg s5  }
0xab: {  	[dreg:$0x3] =	wrdreg s6  }
0xac: {  	[dreg:$0x4] =	wrdreg $0xC0  }
0xad: {  	_ =	task [dreg:s9], $0x5FFFF  }
0xae: {  	[dreg:$0x1] =	wrdreg $0xFFFFFFFF  }
0xaf: {  	[dreg:$0x0] =	wrdreg $0x60  }
0xb0: {  	[dreg:$0x2] =	wrdreg s2  }
0xb1: {  	[dreg:$0x3] =	wrdreg s19  }
0xb2: {  	[dreg:$0x4] =	wrdreg s4  }
0xb3: {  	[dreg:$0x5] =	wrdreg $0x9  }
0xb4: {  	_ =	task.clear_ibuf [dreg:s9], $0x6FFFF;
	_ =	strace $0x90000046  }
0xb5: {  	s29 =	simm.s32 $0x9;
	_ =	strace $0x80000048  }
0xb6: {  	_ =	swait.ge [sflag:s29], $0x1  }
0xb7: {  	[sflag:s29] =	ssyncadd.s32 $0xFFFFFFFF  }
0xb8: {  	_ =	strace $0x90000048  }
0xb9: {  	_ =	sfence  }
0xba: {  	s30 =	sld [smem:$0x0];
	_ =	sdelay $0x2  }
0xbb: {  	s31 =	sshll.u32 s1, $0xD;
	s1 =	sshrl.u32 s1, $0x2  }
0xbc: {  	s3 =	sand.u32 $0x4000, s31;
	s1 =	sadd.s32 s1, s30  }
0xbd: {  	s0 =	sor.u32 s3, s0;
	s1 =	sshll.u32 s1, $0x11  }
0xbe: {  	s0 =	sor.u32 s1, s0  }
0xbf: {  	s0 =	sadd.s32 $0x8F2B, s0  }
0xc0: {  	[sflag:s0] =	ssyncadd.remote.s32 $0x1  }
0xc1: {  	_ =	sfence.sel $0xFFFF  }
0xc2: {  	[dreg:$0x0] =	wrdreg $0xFFFFFFFF;
	(pc) =	sbr.abs _section_cstart, $3  }
0xc3: {  	[dreg:$0x1] =	wrdreg $0xFFFFFFFF  }
0xc4: {  	_ =	task.clear_ibuf [dreg:s9], $0x2FFFF;
	_ =	strace $0x9FFFFFFF  }
0xc5: {  	(tm) =	ssettm $0x7FFFFFFF  }
tec
execute0_lowered:
.L_overlay_start_1:
0x0: {  	(tag) =	ssettag $0x1  }
0x1: {  	s0 =	rddreg [dreg:$0x0]  }
0x2: {  	s1 =	srdreg.scid;
	s4 =	stileid.u32  }
0x3: {  	s2 =	rddreg [dreg:$0x1];
	s1 =	sand.u32 $0x1, s1;
	s4 =	sshll.u32 s4, $0x1  }
0x4: {  	s3 =	rddreg [dreg:$0x2];
	s5 =	sor.u32 s1, s4;
	s4 =	simm.s32 $0x0  }
0x5: {  	s23 =	simm.s32 $0x1900;
	[smem:$0x7FF] =	sst s4  }
0x6: {  	s24 =	simm.s32 $0x3900;
	_ =	strace $0x80000047;
	[dreg:$0x4] =	wrdreg s23  }
0x7: {  	s25 =	simm.s32 $0x5900;
	[dreg:$0x5] =	wrdreg s24  }
0x8: {  	s26 =	simm.s32 $0x7900;
	[dreg:$0x6] =	wrdreg s25  }
0x9: {  	s28 =	simm.s32 $0x9900;
	s29 =	simm.s32 $0xB900;
	[dreg:$0x7] =	wrdreg s26  }
0xa: {  	s30 =	simm.s32 $0xD900;
	s1 =	ssub.s32 $0x2, s1;
	[dreg:$0x8] =	wrdreg s28  }
0xb: {  	s5 =	smul.u32 $0x1900, s5;
	s6 =	sshrl.u32 s1, $0x1;
	[dreg:$0x9] =	wrdreg s29  }
0xc: {  	s31 =	simm.s32 $0xF900;
	s1 =	ssub.s32 s1, s6;
	[dreg:$0xa] =	wrdreg s30  }
0xd: {  	[dreg:$0xb] =	wrdreg s31;
	s21 =	sshrl.u32 s5, $0x3;
	s22 =	smax.u32 s1, $0x1  }
0xe: {  	s11 =	simm.s32 $0x13900;
	s0 =	sadd.s32 s0, s21;
	[dreg:$0xd] =	wrdreg s22  }
0xf: {  	s7 =	sadd.s32 $0x400, s3;
	s3 =	simm.s32 $0x0;
	[dreg:$0xc] =	wrdreg s0  }
.LBB2_1:
0x10: {  	[dreg:$0xe] =	wrdreg s3  }
0x11: {  	s0 =	rddreg [dreg:$0xc];
	s14 =	simm.s32 $0x10  }
0x12: {  	[tilespmem:s4], [sflag:$0x10] =	stream.linear.gather [hbm4b:s0+s4], $0x1900, $0x38;
	[tilespmem:$0x15900] =	vst v63  }
0x13: {  	p0 =	por $0x0, $0x0;
	_ =	swait.ge [sflag:s14], $0x1900  }
0x14: {  	p1 =	por p0, p0;
	[sflag:s14] =	ssyncset.done $0x0  }
0x15: {  	s0 =	simm.s32 @p1 $0xB;
	[sflag:s14] =	ssyncadd.s32 $0xFFFFE700  }
0x16: {  	_ =	swait.ge @p1 [sflag:s0], $0x4000  }
0x17: {  	s1 =	simm.s32 @p1 $0x1900;
	[sflag:s0] =	ssyncset.done @p1 $0x0  }
0x18: {  	s6 =	simm.s32 @p1 $0x40;
	[sflag:s0] =	ssyncadd.s32 @p1 $0xFFFFC000;
	s0 =	simm.s32 @p1 $0x0  }
0x19: {  	[tilespmem:s1], [sflag:$0x1] =	stream.indirect.gather @p1 [hbm4b:s2+s6], $0x80, s0, s6, $0xb8;
	[tilespmem:$0x15900] =	vst v63  }
0x1a: {  	s8 =	simm.s32 @p1 $0x3900;
	s9 =	simm.s32 @p1 $0x40;
	s1 =	simm.s32 @p1 $0xC  }
0x1b: {  	[tilespmem:s8], [sflag:$0x6] =	stream.indirect.gather @p1 [hbm4b:s2+s6], $0x80, s9, s6, $0xb8;
	[tilespmem:$0x15900] =	vst v63  }
0x1c: {  	_ =	swait.ge @p1 [sflag:s1], $0x4000  }
0x1d: {  	[sflag:s1] =	ssyncset.done @p1 $0x0  }
0x1e: {  	s8 =	simm.s32 @p1 $0x80;
	[sflag:s1] =	ssyncadd.s32 @p1 $0xFFFFC000;
	s1 =	simm.s32 @p1 $0x5900  }
0x1f: {  	[tilespmem:s1], [sflag:$0x2] =	stream.indirect.gather @p1 [hbm4b:s2+s6], $0x80, s8, s6, $0xb8;
	[tilespmem:$0x15900] =	vst v63  }
0x20: {  	s9 =	simm.s32 @p1 $0xD;
	s1 =	simm.s32 @p1 $0xC0;
	s8 =	simm.s32 @p1 $0x7900  }
0x21: {  	[tilespmem:s8], [sflag:$0x7] =	stream.indirect.gather @p1 [hbm4b:s2+s6], $0x80, s1, s6, $0xb8;
	[tilespmem:$0x15900] =	vst v63  }
0x22: {  	_ =	swait.ge @p1 [sflag:s9], $0x4000  }
0x23: {  	[sflag:s9] =	ssyncset.done @p1 $0x0  }
0x24: {  	s1 =	simm.s32 @p1 $0x100;
	s8 =	simm.s32 @p1 $0x9900;
	[sflag:s9] =	ssyncadd.s32 @p1 $0xFFFFC000  }
0x25: {  	[tilespmem:s8], [sflag:$0x3] =	stream.indirect.gather @p1 [hbm4b:s2+s6], $0x80, s1, s6, $0xb8;
	[tilespmem:$0x15900] =	vst v63  }
0x26: {  	s9 =	simm.s32 @p1 $0xE;
	s1 =	simm.s32 @p1 $0x140;
	s8 =	simm.s32 @p1 $0xB900  }
0x27: {  	[tilespmem:s8], [sflag:$0x8] =	stream.indirect.gather @p1 [hbm4b:s2+s6], $0x80, s1, s6, $0xb8;
	[tilespmem:$0x15900] =	vst v63  }
0x28: {  	_ =	swait.ge @p1 [sflag:s9], $0x4000  }
0x29: {  	[sflag:s9] =	ssyncset.done @p1 $0x0  }
0x2a: {  	s1 =	simm.s32 @p1 $0x180;
	s8 =	simm.s32 @p1 $0xD900;
	[sflag:s9] =	ssyncadd.s32 @p1 $0xFFFFC000  }
0x2b: {  	[tilespmem:s8], [sflag:$0x4] =	stream.indirect.gather @p1 [hbm4b:s2+s6], $0x80, s1, s6, $0xb8;
	[tilespmem:$0x15900] =	vst v63  }
0x2c: {  	s9 =	simm.s32 @p1 $0xF;
	s1 =	simm.s32 @p1 $0x1C0;
	s8 =	simm.s32 @p1 $0xF900  }
0x2d: {  	[tilespmem:s8], [sflag:$0x9] =	stream.indirect.gather @p1 [hbm4b:s2+s6], $0x80, s1, s6, $0xb8;
	[tilespmem:$0x15900] =	vst v63  }
0x2e: {  	_ =	swait.ge @p1 [sflag:s9], $0x4000  }
0x2f: {  	s1 =	simm.s32 @!p1 $0x1900;
	[sflag:s9] =	ssyncset.done @p1 $0x0  }
0x30: {  	s6 =	simm.s32 @!p1 $0x40;
	s8 =	simm.s32 @!p1 $0x0;
	[sflag:s9] =	ssyncadd.s32 @p1 $0xFFFFC000  }
0x31: {  	[tilespmem:s1], [sflag:$0x1] =	stream.indirect.gather @!p1 [hbm4b:s2+s6], $0x80, s8, s6, $0xb8;
	[tilespmem:$0x15900] =	vst v63  }
0x32: {  	s15 =	simm.s32 $0x40;
	s1 =	simm.s32 @!p1 $0x3900  }
0x33: {  	[tilespmem:s1], [sflag:$0x6] =	stream.indirect.gather @!p1 [hbm4b:s2+s6], $0x80, s6, s6, $0xb8;
	[tilespmem:$0x15900] =	vst v63  }
0x34: {  	s16 =	simm.s32 $0x1;
	s8 =	simm.s32 @!p1 $0x5900;
	s1 =	simm.s32 @!p1 $0x80  }
0x35: {  	[tilespmem:s8], [sflag:$0x2] =	stream.indirect.gather @!p1 [hbm4b:s2+s6], $0x80, s1, s6, $0xb8;
	[tilespmem:$0x15900] =	vst v63  }
0x36: {  	s20 =	simm.s32 $0x6;
	s1 =	simm.s32 @!p1 $0xC0;
	s8 =	simm.s32 @!p1 $0x7900  }
0x37: {  	[tilespmem:s8], [sflag:$0x7] =	stream.indirect.gather @!p1 [hbm4b:s2+s6], $0x80, s1, s6, $0xb8;
	[tilespmem:$0x15900] =	vst v63  }
0x38: {  	s22 =	simm.s32 $0x2;
	s1 =	simm.s32 @!p1 $0x100;
	s8 =	simm.s32 @!p1 $0x9900  }
0x39: {  	[tilespmem:s8], [sflag:$0x3] =	stream.indirect.gather @!p1 [hbm4b:s2+s6], $0x80, s1, s6, $0xb8;
	[tilespmem:$0x15900] =	vst v63  }
0x3a: {  	s26 =	simm.s32 $0x7;
	s1 =	simm.s32 @!p1 $0x140;
	s8 =	simm.s32 @!p1 $0xB900  }
0x3b: {  	[tilespmem:s8], [sflag:$0x8] =	stream.indirect.gather @!p1 [hbm4b:s2+s6], $0x80, s1, s6, $0xb8;
	[tilespmem:$0x15900] =	vst v63  }
0x3c: {  	s9 =	simm.s32 @!p1 $0xD900;
	s1 =	simm.s32 @p0 $0x0;
	s8 =	simm.s32 @!p1 $0x180  }
0x3d: {  	[tilespmem:s9], [sflag:$0x4] =	stream.indirect.gather @!p1 [hbm4b:s2+s6], $0x80, s8, s6, $0xb8;
	[tilespmem:$0x15900] =	vst v63  }
0x3e: {  	s1 =	simm.s32 @!p0 $0x0;
	s8 =	simm.s32 @!p1 $0x1C0;
	s9 =	simm.s32 @!p1 $0xF900  }
0x3f: {  	[tilespmem:s9], [sflag:$0x9] =	stream.indirect.gather @!p1 [hbm4b:s2+s6], $0x80, s8, s6, $0xb8;
	[tilespmem:$0x15900] =	vst v63  }
0x40: {  	s14 =	simm.s32 $0x11900;
	s0 =	simm.s32 @!p1 $0x0;
	s10 =	sadd.s32 $0x200, s1  }
0x41: {  	[tilespmem:s14], [sflag:$0x5] =	stream.indirect.gather [hbm4b:s2+s15], $0x80, s10, s15, $0xb8;
	[tilespmem:$0x15900] =	vst v63  }
0x42: {  	s28 =	simm.s32 $0xA00;
	s0 =	sadd.s32 $0x240, s0;
	s6 =	simm.s32 @p0 $0x80  }
0x43: {  	[tilespmem:s11], [sflag:$0xA] =	stream.indirect.gather [hbm4b:s2+s15], $0x80, s0, s15, $0xb8;
	[tilespmem:$0x15900] =	vst v63  }
0x44: {  	s17 =	sadd.s32 s5, s1;
	s6 =	simm.s32 @!p0 $0x80;
	_ =	swait.ge [sflag:s16], $0x2000  }
0x45: {  	s9 =	simm.s32 $0x3;
	s23 =	sadd.s32 s5, s6;
	[sflag:s16] =	ssyncset.done $0x0  }
0x46: {  	s6 =	simm.s32 @p0 $0x100;
	s10 =	sadd.s32 s5, s10;
	[sflag:s16] =	ssyncadd.s32 $0xFFFFE000  }
0x47: {  	s6 =	simm.s32 @!p0 $0x100;
	s0 =	sshll.u32 s17, $0x4;
	s3 =	rddreg [dreg:$0x2]  }
0x48: {  	s10 =	sshll.u32 s10, $0x4;
	s18 =	rddreg [dreg:$0x4];
	s19 =	sadd.s32 s3, s0  }
0x49: {  	[hbm4b:s19+s4] =	stream.linear.scatter [tilespmem:s18], [sflag:$0xB], $0x2000, $0x38;
	[tilespmem:$0x15900] =	vst v63  }
0x4a: {  	s11 =	sadd.s32 s5, s6;
	s15 =	simm.s32 $0x8;
	_ =	swait.ge [sflag:s20], $0x2000  }
0x4b: {  	s1 =	sshll.u32 s11, $0x4;
	s0 =	sand.u32 $0x1FFFF800, s0;
	[sflag:s20] =	ssyncset.done $0x0  }
0x4c: {  	s0 =	sadd.s32 s0, s7;
	s21 =	rddreg [dreg:$0x5];
	[sflag:s20] =	ssyncadd.s32 $0xFFFFE000  }
0x4d: {  	[hbm4b:s0+s4] =	stream.linear.scatter [tilespmem:s21], [sflag:$0xB], $0x2000, $0x38;
	[tilespmem:$0x15900] =	vst v63  }
0x4e: {  	s13 =	sadd.s32 s3, s1;
	s0 =	sshll.u32 s23, $0x4;
	_ =	swait.ge [sflag:s22], $0x2000  }
0x4f: {  	s1 =	sand.u32 $0x1FFFF800, s1;
	s25 =	sadd.s32 s3, s0;
	[sflag:s22] =	ssyncset.done $0x0  }
0x50: {  	s0 =	sand.u32 $0x1FFFF800, s0;
	s24 =	rddreg [dreg:$0x6];
	[sflag:s22] =	ssyncadd.s32 $0xFFFFE000  }
0x51: {  	[hbm4b:s25+s4] =	stream.linear.scatter [tilespmem:s24], [sflag:$0xC], $0x2000, $0x38;
	[tilespmem:$0x15900] =	vst v63  }
0x52: {  	s1 =	sadd.s32 s1, s7;
	s0 =	sadd.s32 s0, s7;
	_ =	swait.ge [sflag:s26], $0x2000  }
0x53: {  	s22 =	simm.s32 $0x5;
	s25 =	simm.s32 $0x1400;
	[sflag:s26] =	ssyncset.done $0x0  }
0x54: {  	s29 =	rddreg [dreg:$0x7];
	[sflag:s26] =	ssyncadd.s32 $0xFFFFE000;
	s26 =	sadd.s32 s3, s10  }
0x55: {  	[hbm4b:s0+s4] =	stream.linear.scatter [tilespmem:s29], [sflag:$0xC], $0x2000, $0x38;
	[tilespmem:$0x15900] =	vst v63  }
0x56: {  	s10 =	sand.u32 $0x1FFFF800, s10;
	s0 =	simm.s32 $0x180;
	s29 =	simm.s32 $0xA  }
0x57: {  	s10 =	sadd.s32 s10, s7;
	_ =	swait.ge [sflag:s9], $0x2000;
	s0 =	simm.s32 @!p0 $0x180  }
0x58: {  	p0 =	por $0x1, $0x1;
	s12 =	rddreg [dreg:$0x8];
	[sflag:s9] =	ssyncset.done $0x0  }
0x59: {  	s0 =	sadd.s32 s5, s0;
	s8 =	simm.s32 @p0 $0x280;
	[sflag:s9] =	ssyncadd.s32 $0xFFFFE000  }
0x5a: {  	[hbm4b:s13+s4] =	stream.linear.scatter [tilespmem:s12], [sflag:$0xD], $0x2000, $0x38;
	[tilespmem:$0x15900] =	vst v63  }
0x5b: {  	s0 =	sshll.u32 s0, $0x4;
	s8 =	simm.s32 @!p0 $0x0;
	_ =	swait.ge [sflag:s15], $0x2000  }
0x5c: {  	s16 =	sand.u32 $0x1FFFF800, s0;
	s12 =	simm.s32 $0x400;
	[sflag:s15] =	ssyncset.done $0x0  }
0x5d: {  	s13 =	simm.s32 $0x4;
	s17 =	rddreg [dreg:$0x9];
	[sflag:s15] =	ssyncadd.s32 $0xFFFFE000  }
0x5e: {  	[hbm4b:s1+s4] =	stream.linear.scatter [tilespmem:s17], [sflag:$0xD], $0x2000, $0x38;
	[tilespmem:$0x15900] =	vst v63  }
0x5f: {  	s18 =	sadd.s32 s5, s8;
	s0 =	sadd.s32 s3, s0;
	_ =	swait.ge [sflag:s13], $0x2000  }
0x60: {  	s24 =	sshll.u32 s18, $0x4;
	s12 =	simm.s32 @!p0 $0x180;
	[sflag:s13] =	ssyncset.done $0x0  }
0x61: {  	s15 =	simm.s32 $0x9;
	s19 =	rddreg [dreg:$0xa];
	[sflag:s13] =	ssyncadd.s32 $0xFFFFE000  }
0x62: {  	[hbm4b:s0+s4] =	stream.linear.scatter [tilespmem:s19], [sflag:$0xE], $0x2000, $0x38;
	[tilespmem:$0x15900] =	vst v63  }
0x63: {  	s11 =	sadd.s32 s16, s7;
	s23 =	sadd.s32 s5, s12;
	_ =	swait.ge [sflag:s15], $0x2000  }
0x64: {  	s6 =	sand.u32 $0x1FFFF800, s24;
	s31 =	sshll.u32 s23, $0x4;
	[sflag:s15] =	ssyncset.done $0x0  }
0x65: {  	s1 =	simm.s32 @p0 $0x300;
	s21 =	rddreg [dreg:$0xb];
	[sflag:s15] =	ssyncadd.s32 $0xFFFFE000  }
0x66: {  	[hbm4b:s11+s4] =	stream.linear.scatter [tilespmem:s21], [sflag:$0xE], $0x2000, $0x38;
	[tilespmem:$0x15900] =	vst v63  }
0x67: {  	s30 =	sand.u32 $0x1FFFF800, s31;
	s1 =	simm.s32 @!p0 $0x80;
	_ =	swait.ge [sflag:s22], $0x2000  }
0x68: {  	s20 =	sadd.s32 s5, s1;
	s1 =	simm.s32 @p0 $0x380;
	[sflag:s22] =	ssyncset.done $0x0  }
0x69: {  	s9 =	sshll.u32 s20, $0x4;
	s1 =	simm.s32 @!p0 $0x100;
	[sflag:s22] =	ssyncadd.s32 $0xFFFFE000  }
0x6a: {  	[hbm4b:s26+s4] =	stream.linear.scatter [tilespmem:s14], [sflag:$0xF], $0x2000, $0x38;
	[tilespmem:$0x15900] =	vst v63  }
0x6b: {  	p0 =	por p0, p0;
	s1 =	sadd.s32 s5, s1;
	_ =	swait.ge [sflag:s29], $0x2000  }
0x6c: {  	s0 =	sand.u32 $0x1FFFF800, s9;
	s1 =	sshll.u32 s1, $0x4;
	[sflag:s29] =	ssyncset.done $0x0  }
0x6d: {  	s23 =	sand.u32 $0x1FFFF800, s1;
	s26 =	simm.s32 $0x680;
	[sflag:s29] =	ssyncadd.s32 $0xFFFFE000  }
.LBB2_2:
0x6e: {  	s3 =	simm.s32 $0x13900;
	s11 =	simm.s32 @p0 $0xB  }
0x6f: {  	[hbm4b:s10+s4] =	stream.linear.scatter [tilespmem:s3], [sflag:$0xF], $0x2000, $0x38;
	[tilespmem:$0x15900] =	vst v63  }
0x70: {  	_ =	swait.ge @p0 [sflag:s11], $0x4000  }
0x71: {  	s14 =	simm.s32 @p0 $0x1900;
	[sflag:s11] =	ssyncset.done @p0 $0x0  }
0x72: {  	s13 =	sshra.s32 @p0 s28, $0x2;
	[sflag:s11] =	ssyncadd.s32 @p0 $0xFFFFC000;
	s11 =	simm.s32 @p0 $0x40  }
0x73: {  	[tilespmem:s14], [sflag:$0x1] =	stream.indirect.gather @p0 [hbm4b:s2+s11], $0x80, s13, s11, $0xb8;
	[tilespmem:$0x15900] =	vst v63  }
0x74: {  	s12 =	simm.s32 @p0 $0xC;
	s15 =	simm.s32 @p0 $0x3900;
	s14 =	sadd.s32 @p0 $0x40, s13  }
0x75: {  	[tilespmem:s15], [sflag:$0x6] =	stream.indirect.gather @p0 [hbm4b:s2+s11], $0x80, s14, s11, $0xb8;
	[tilespmem:$0x15900] =	vst v63  }
0x76: {  	_ =	swait.ge @p0 [sflag:s12], $0x4000  }
0x77: {  	s18 =	smov.u32 s25;
	[sflag:s12] =	ssyncset.done @p0 $0x0  }
0x78: {  	s16 =	sadd.s32 @p0 $0x80, s13;
	[sflag:s12] =	ssyncadd.s32 @p0 $0xFFFFC000;
	s12 =	simm.s32 @p0 $0x5900  }
0x79: {  	[tilespmem:s12], [sflag:$0x2] =	stream.indirect.gather @p0 [hbm4b:s2+s11], $0x80, s16, s11, $0xb8;
	[tilespmem:$0x15900] =	vst v63  }
0x7a: {  	s20 =	simm.s32 @p0 $0xD;
	s17 =	sadd.s32 @p0 $0xC0, s13;
	s12 =	simm.s32 @p0 $0x7900  }
0x7b: {  	[tilespmem:s12], [sflag:$0x7] =	stream.indirect.gather @p0 [hbm4b:s2+s11], $0x80, s17, s11, $0xb8;
	[tilespmem:$0x15900] =	vst v63  }
0x7c: {  	p2 =	sne.s32 s18, $0x0;
	s28 =	sadd.s32 @p0 $0x180, s13;
	_ =	swait.ge @p0 [sflag:s20], $0x4000  }
0x7d: {  	s29 =	sadd.s32 @p0 $0x1C0, s13;
	s14 =	sadd.s32 @p0 $0x100, s13;
	[sflag:s20] =	ssyncset.done @p0 $0x0  }
0x7e: {  	s15 =	sadd.s32 @p0 $0x140, s13;
	s17 =	simm.s32 @p0 $0x9900;
	[sflag:s20] =	ssyncadd.s32 @p0 $0xFFFFC000  }
0x7f: {  	[tilespmem:s17], [sflag:$0x3] =	stream.indirect.gather @p0 [hbm4b:s2+s11], $0x80, s14, s11, $0xb8;
	[tilespmem:$0x15900] =	vst v63  }
0x80: {  	s12 =	sadd.s32 @p2 $0xFFFFFF00, s26;
	s20 =	simm.s32 @p0 $0xE;
	s14 =	simm.s32 @p0 $0xB900  }
0x81: {  	[tilespmem:s14], [sflag:$0x8] =	stream.indirect.gather @p0 [hbm4b:s2+s11], $0x80, s15, s11, $0xb8;
	[tilespmem:$0x15900] =	vst v63  }
0x82: {  	s12 =	simm.s32 @!p2 $0x80;
	s14 =	sadd.s32 @p2 $0xFFFFFF80, s26;
	_ =	swait.ge @p0 [sflag:s20], $0x4000  }
0x83: {  	s12 =	sadd.s32 s5, s12;
	s14 =	simm.s32 @!p2 $0x100;
	[sflag:s20] =	ssyncset.done @p0 $0x0  }
0x84: {  	s21 =	sadd.s32 s5, s14;
	s14 =	simm.s32 @p0 $0xD900;
	[sflag:s20] =	ssyncadd.s32 @p0 $0xFFFFC000  }
0x85: {  	[tilespmem:s14], [sflag:$0x4] =	stream.indirect.gather @p0 [hbm4b:s2+s11], $0x80, s28, s11, $0xb8;
	[tilespmem:$0x15900] =	vst v63  }
0x86: {  	s17 =	sshll.u32 s12, $0x4;
	s12 =	simm.s32 @p0 $0xF900;
	s20 =	simm.s32 @p0 $0xF  }
0x87: {  	[tilespmem:s12], [sflag:$0x9] =	stream.indirect.gather @p0 [hbm4b:s2+s11], $0x80, s29, s11, $0xb8;
	[tilespmem:$0x15900] =	vst v63  }
0x88: {  	_ =	swait.ge @p0 [sflag:s20], $0x4000  }
0x89: {  	s28 =	simm.s32 @!p0 $0x1900;
	[sflag:s20] =	ssyncset.done @p0 $0x0  }
0x8a: {  	s29 =	simm.s32 @!p0 $0x0;
	[sflag:s20] =	ssyncadd.s32 @p0 $0xFFFFC000;
	s20 =	simm.s32 @!p0 $0x40  }
0x8b: {  	[tilespmem:s28], [sflag:$0x1] =	stream.indirect.gather @!p0 [hbm4b:s2+s20], $0x80, s29, s20, $0xb8;
	[tilespmem:$0x15900] =	vst v63  }
0x8c: {  	s10 =	sadd.s32 @p2 $0xFFFFFE80, s26;
	s28 =	simm.s32 @!p0 $0x3900  }
0x8d: {  	[tilespmem:s28], [sflag:$0x6] =	stream.indirect.gather @!p0 [hbm4b:s2+s20], $0x80, s20, s20, $0xb8;
	[tilespmem:$0x15900] =	vst v63  }
0x8e: {  	s14 =	sshll.u32 s21, $0x4;
	s21 =	simm.s32 @!p0 $0x5900;
	s28 =	simm.s32 @!p0 $0x80  }
0x8f: {  	[tilespmem:s21], [sflag:$0x2] =	stream.indirect.gather @!p0 [hbm4b:s2+s20], $0x80, s28, s20, $0xb8;
	[tilespmem:$0x15900] =	vst v63  }
0x90: {  	s22 =	simm.s32 @!p0 $0x7900;
	s10 =	simm.s32 @!p2 $0x0;
	s21 =	simm.s32 @!p0 $0xC0  }
0x91: {  	[tilespmem:s22], [sflag:$0x7] =	stream.indirect.gather @!p0 [hbm4b:s2+s20], $0x80, s21, s20, $0xb8;
	[tilespmem:$0x15900] =	vst v63  }
0x92: {  	s28 =	smov.u32 s18;
	s18 =	simm.s32 @!p0 $0x100;
	s21 =	simm.s32 @!p0 $0x9900  }
0x93: {  	[tilespmem:s21], [sflag:$0x3] =	stream.indirect.gather @!p0 [hbm4b:s2+s20], $0x80, s18, s20, $0xb8;
	[tilespmem:$0x15900] =	vst v63  }
0x94: {  	s19 =	sadd.s32 s5, s10;
	s18 =	simm.s32 @!p0 $0x140;
	s21 =	simm.s32 @!p0 $0xB900  }
0x95: {  	[tilespmem:s21], [sflag:$0x8] =	stream.indirect.gather @!p0 [hbm4b:s2+s20], $0x80, s18, s20, $0xb8;
	[tilespmem:$0x15900] =	vst v63  }
0x96: {  	s13 =	simm.s32 @!p0 $0x0;
	s18 =	simm.s32 @!p0 $0x180;
	s21 =	simm.s32 @!p0 $0xD900  }
0x97: {  	[tilespmem:s21], [sflag:$0x4] =	stream.indirect.gather @!p0 [hbm4b:s2+s20], $0x80, s18, s20, $0xb8;
	[tilespmem:$0x15900] =	vst v63  }
0x98: {  	s22 =	sadd.s32 $0x200, s8;
	s18 =	simm.s32 @!p0 $0x1C0;
	s21 =	simm.s32 @!p0 $0xF900  }
0x99: {  	[tilespmem:s21], [sflag:$0x9] =	stream.indirect.gather @!p0 [hbm4b:s2+s20], $0x80, s18, s20, $0xb8;
	[tilespmem:$0x15900] =	vst v63  }
0x9a: {  	s8 =	smov.u32 s10;
	s10 =	simm.s32 $0x40;
	s21 =	simm.s32 $0x11900  }
0x9b: {  	[tilespmem:s21], [sflag:$0x5] =	stream.indirect.gather [hbm4b:s2+s10], $0x80, s22, s10, $0xb8;
	[tilespmem:$0x15900] =	vst v63  }
0x9c: {  	s13 =	sadd.s32 $0x240, s13;
	s18 =	simm.s32 $0x1  }
0x9d: {  	[tilespmem:s3], [sflag:$0xA] =	stream.indirect.gather [hbm4b:s2+s10], $0x80, s13, s10, $0xb8;
	[tilespmem:$0x15900] =	vst v63  }
0x9e: {  	_ =	swait.ge [sflag:s18], $0x2000  }
0x9f: {  	[sflag:s18] =	ssyncset.done $0x0  }
0xa0: {  	s22 =	sadd.s32 s5, s22;
	[sflag:s18] =	ssyncadd.s32 $0xFFFFE000  }
0xa1: {  	s19 =	sshll.u32 s19, $0x4;
	s13 =	sshll.u32 s22, $0x4;
	s3 =	rddreg [dreg:$0x2]  }
0xa2: {  	s20 =	rddreg [dreg:$0x4];
	s18 =	simm.s32 $0x6;
	s22 =	sadd.s32 s3, s24  }
0xa3: {  	[hbm4b:s22+s4] =	stream.linear.scatter [tilespmem:s20], [sflag:$0xB], $0x2000, $0x38;
	[tilespmem:$0x15900] =	vst v63  }
0xa4: {  	s16 =	sand.u32 $0x1FFFF800, s19;
	_ =	swait.ge [sflag:s18], $0x2000  }
0xa5: {  	s24 =	smov.u32 s19;
	s19 =	simm.s32 $0x2;
	[sflag:s18] =	ssyncset.done $0x0  }
0xa6: {  	s22 =	sadd.s32 s6, s7;
	s20 =	rddreg [dreg:$0x5];
	[sflag:s18] =	ssyncadd.s32 $0xFFFFE000  }
0xa7: {  	[hbm4b:s22+s4] =	stream.linear.scatter [tilespmem:s20], [sflag:$0xB], $0x2000, $0x38;
	[tilespmem:$0x15900] =	vst v63  }
0xa8: {  	_ =	swait.ge [sflag:s19], $0x2000  }
0xa9: {  	s22 =	sadd.s32 s3, s9;
	[sflag:s19] =	ssyncset.done $0x0  }
0xaa: {  	s20 =	rddreg [dreg:$0x6];
	[sflag:s19] =	ssyncadd.s32 $0xFFFFE000;
	s19 =	simm.s32 $0x7  }
0xab: {  	[hbm4b:s22+s4] =	stream.linear.scatter [tilespmem:s20], [sflag:$0xC], $0x2000, $0x38;
	[tilespmem:$0x15900] =	vst v63  }
0xac: {  	s15 =	sand.u32 $0x1FFFF800, s17;
	_ =	swait.ge [sflag:s19], $0x2000  }
0xad: {  	s22 =	sadd.s32 s0, s7;
	s0 =	smov.u32 s15;
	[sflag:s19] =	ssyncset.done $0x0  }
0xae: {  	s15 =	simm.s32 $0x3;
	s20 =	rddreg [dreg:$0x7];
	[sflag:s19] =	ssyncadd.s32 $0xFFFFE000  }
0xaf: {  	[hbm4b:s22+s4] =	stream.linear.scatter [tilespmem:s20], [sflag:$0xC], $0x2000, $0x38;
	[tilespmem:$0x15900] =	vst v63  }
0xb0: {  	_ =	swait.ge [sflag:s15], $0x2000  }
0xb1: {  	s18 =	sadd.s32 s3, s1;
	s9 =	smov.u32 s17;
	[sflag:s15] =	ssyncset.done $0x0  }
0xb2: {  	s19 =	simm.s32 $0x8;
	s17 =	rddreg [dreg:$0x8];
	[sflag:s15] =	ssyncadd.s32 $0xFFFFE000  }
0xb3: {  	[hbm4b:s18+s4] =	stream.linear.scatter [tilespmem:s17], [sflag:$0xD], $0x2000, $0x38;
	[tilespmem:$0x15900] =	vst v63  }
0xb4: {  	s12 =	smov.u32 s26;
	s11 =	sand.u32 $0x1FFFF800, s14;
	_ =	swait.ge [sflag:s19], $0x2000  }
0xb5: {  	s22 =	sadd.s32 s23, s7;
	s23 =	smov.u32 s11;
	[sflag:s19] =	ssyncset.done $0x0  }
0xb6: {  	s11 =	simm.s32 $0x4;
	s20 =	rddreg [dreg:$0x9];
	[sflag:s19] =	ssyncadd.s32 $0xFFFFE000  }
0xb7: {  	[hbm4b:s22+s4] =	stream.linear.scatter [tilespmem:s20], [sflag:$0xD], $0x2000, $0x38;
	[tilespmem:$0x15900] =	vst v63  }
0xb8: {  	s12 =	simm.s32 @!p2 $0x180;
	_ =	swait.ge [sflag:s11], $0x2000  }
0xb9: {  	s6 =	smov.u32 s16;
	s16 =	sadd.s32 s3, s31;
	[sflag:s11] =	ssyncset.done $0x0  }
0xba: {  	s17 =	simm.s32 $0x9;
	s15 =	rddreg [dreg:$0xa];
	[sflag:s11] =	ssyncadd.s32 $0xFFFFE000  }
0xbb: {  	[hbm4b:s16+s4] =	stream.linear.scatter [tilespmem:s15], [sflag:$0xE], $0x2000, $0x38;
	[tilespmem:$0x15900] =	vst v63  }
0xbc: {  	s25 =	sadd.s32 $0xA00, s25;
	s12 =	sadd.s32 s5, s12;
	_ =	swait.ge [sflag:s17], $0x2000  }
0xbd: {  	s12 =	sshll.u32 s12, $0x4;
	s19 =	sadd.s32 s30, s7;
	[sflag:s17] =	ssyncset.done $0x0  }
0xbe: {  	s20 =	simm.s32 $0x5;
	s18 =	rddreg [dreg:$0xb];
	[sflag:s17] =	ssyncadd.s32 $0xFFFFE000  }
0xbf: {  	[hbm4b:s19+s4] =	stream.linear.scatter [tilespmem:s18], [sflag:$0xE], $0x2000, $0x38;
	[tilespmem:$0x15900] =	vst v63  }
0xc0: {  	p1 =	sne.s32 s25, $0x6400;
	s29 =	sand.u32 $0x1FFFF800, s12;
	_ =	swait.ge [sflag:s20], $0x2000  }
0xc1: {  	s30 =	smov.u32 s29;
	s29 =	simm.s32 $0xA;
	[sflag:s20] =	ssyncset.done $0x0  }
.Ltmp0:
0xc2: {  	s22 =	sadd.s32 s3, s13;
	[sflag:s20] =	ssyncadd.s32 $0xFFFFE000;
	(pc) =	sbr.rel @p1 .LBB2_2-.Ltmp0, $4  }
0xc3: {  	[hbm4b:s22+s4] =	stream.linear.scatter [tilespmem:s21], [sflag:$0xF], $0x2000, $0x38;
	[tilespmem:$0x15900] =	vst v63  }
0xc4: {  	s26 =	sadd.s32 $0x280, s26;
	s10 =	sand.u32 $0x1FFFF800, s13;
	_ =	swait.ge [sflag:s29], $0x2000  }
0xc5: {  	p0 =	por p2, p2;
	s10 =	sadd.s32 s10, s7;
	[sflag:s29] =	ssyncset.done $0x0  }
0xc6: {  	s31 =	smov.u32 s12;
	s1 =	smov.u32 s14;
	[sflag:s29] =	ssyncadd.s32 $0xFFFFE000  }
0xc7: {  	s3 =	simm.s32 $0x13900  }
0xc8: {  	[hbm4b:s10+s4] =	stream.linear.scatter [tilespmem:s3], [sflag:$0xF], $0x2000, $0x38;
	[tilespmem:$0x15900] =	vst v63  }
0xc9: {  	s10 =	simm.s32 @p0 $0xB  }
0xca: {  	_ =	swait.ge @p0 [sflag:s10], $0x4000  }
0xcb: {  	s11 =	simm.s32 @p0 $0x1900;
	[sflag:s10] =	ssyncset.done @p0 $0x0  }
0xcc: {  	s12 =	simm.s32 @p0 $0x40;
	[sflag:s10] =	ssyncadd.s32 @p0 $0xFFFFC000;
	s10 =	sshra.s32 @p0 s28, $0x2  }
0xcd: {  	[tilespmem:s11], [sflag:$0x1] =	stream.indirect.gather @p0 [hbm4b:s2+s12], $0x80, s10, s12, $0xb8;
	[tilespmem:$0x15900] =	vst v63  }
0xce: {  	s11 =	simm.s32 @p0 $0x3900;
	s13 =	sadd.s32 @p0 $0x40, s10  }
0xcf: {  	[tilespmem:s11], [sflag:$0x6] =	stream.indirect.gather @p0 [hbm4b:s2+s12], $0x80, s13, s12, $0xb8;
	[tilespmem:$0x15900] =	vst v63  }
0xd0: {  	s11 =	simm.s32 @p0 $0xC  }
0xd1: {  	_ =	swait.ge @p0 [sflag:s11], $0x4000  }
0xd2: {  	[sflag:s11] =	ssyncset.done @p0 $0x0  }
0xd3: {  	s13 =	sadd.s32 @p0 $0x80, s10;
	[sflag:s11] =	ssyncadd.s32 @p0 $0xFFFFC000;
	s11 =	simm.s32 @p0 $0x5900  }
0xd4: {  	[tilespmem:s11], [sflag:$0x2] =	stream.indirect.gather @p0 [hbm4b:s2+s12], $0x80, s13, s12, $0xb8;
	[tilespmem:$0x15900] =	vst v63  }
0xd5: {  	s11 =	sadd.s32 @p0 $0xC0, s10;
	s13 =	simm.s32 @p0 $0x7900  }
0xd6: {  	[tilespmem:s13], [sflag:$0x7] =	stream.indirect.gather @p0 [hbm4b:s2+s12], $0x80, s11, s12, $0xb8;
	[tilespmem:$0x15900] =	vst v63  }
0xd7: {  	s11 =	simm.s32 @p0 $0xD  }
0xd8: {  	_ =	swait.ge @p0 [sflag:s11], $0x4000  }
0xd9: {  	[sflag:s11] =	ssyncset.done @p0 $0x0  }
0xda: {  	s13 =	sadd.s32 @p0 $0x100, s10;
	[sflag:s11] =	ssyncadd.s32 @p0 $0xFFFFC000;
	s11 =	simm.s32 @p0 $0x9900  }
0xdb: {  	[tilespmem:s11], [sflag:$0x3] =	stream.indirect.gather @p0 [hbm4b:s2+s12], $0x80, s13, s12, $0xb8;
	[tilespmem:$0x15900] =	vst v63  }
0xdc: {  	s11 =	sadd.s32 @p0 $0x140, s10;
	s13 =	simm.s32 @p0 $0xB900  }
0xdd: {  	[tilespmem:s13], [sflag:$0x8] =	stream.indirect.gather @p0 [hbm4b:s2+s12], $0x80, s11, s12, $0xb8;
	[tilespmem:$0x15900] =	vst v63  }
0xde: {  	s11 =	simm.s32 @p0 $0xE  }
0xdf: {  	_ =	swait.ge @p0 [sflag:s11], $0x4000  }
0xe0: {  	[sflag:s11] =	ssyncset.done @p0 $0x0  }
0xe1: {  	s13 =	sadd.s32 @p0 $0x180, s10;
	[sflag:s11] =	ssyncadd.s32 @p0 $0xFFFFC000;
	s11 =	simm.s32 @p0 $0xD900  }
0xe2: {  	[tilespmem:s11], [sflag:$0x4] =	stream.indirect.gather @p0 [hbm4b:s2+s12], $0x80, s13, s12, $0xb8;
	[tilespmem:$0x15900] =	vst v63  }
0xe3: {  	s11 =	sadd.s32 @p0 $0x1C0, s10;
	s13 =	simm.s32 @p0 $0xF900  }
0xe4: {  	[tilespmem:s13], [sflag:$0x9] =	stream.indirect.gather @p0 [hbm4b:s2+s12], $0x80, s11, s12, $0xb8;
	[tilespmem:$0x15900] =	vst v63  }
0xe5: {  	s11 =	simm.s32 @p0 $0xF  }
0xe6: {  	_ =	swait.ge @p0 [sflag:s11], $0x4000  }
0xe7: {  	s12 =	simm.s32 @!p0 $0x1900;
	[sflag:s11] =	ssyncset.done @p0 $0x0  }
0xe8: {  	s13 =	simm.s32 @!p0 $0x0;
	[sflag:s11] =	ssyncadd.s32 @p0 $0xFFFFC000;
	s11 =	simm.s32 @!p0 $0x40  }
0xe9: {  	[tilespmem:s12], [sflag:$0x1] =	stream.indirect.gather @!p0 [hbm4b:s2+s11], $0x80, s13, s11, $0xb8;
	[tilespmem:$0x15900] =	vst v63  }
0xea: {  	s12 =	simm.s32 @!p0 $0x3900  }
0xeb: {  	[tilespmem:s12], [sflag:$0x6] =	stream.indirect.gather @!p0 [hbm4b:s2+s11], $0x80, s11, s11, $0xb8;
	[tilespmem:$0x15900] =	vst v63  }
0xec: {  	s13 =	simm.s32 @!p0 $0x5900;
	s12 =	simm.s32 @!p0 $0x80  }
0xed: {  	[tilespmem:s13], [sflag:$0x2] =	stream.indirect.gather @!p0 [hbm4b:s2+s11], $0x80, s12, s11, $0xb8;
	[tilespmem:$0x15900] =	vst v63  }
0xee: {  	s12 =	simm.s32 @!p0 $0xC0;
	s13 =	simm.s32 @!p0 $0x7900  }
0xef: {  	[tilespmem:s13], [sflag:$0x7] =	stream.indirect.gather @!p0 [hbm4b:s2+s11], $0x80, s12, s11, $0xb8;
	[tilespmem:$0x15900] =	vst v63  }
0xf0: {  	s12 =	simm.s32 @!p0 $0x100;
	s13 =	simm.s32 @!p0 $0x9900  }
0xf1: {  	[tilespmem:s13], [sflag:$0x3] =	stream.indirect.gather @!p0 [hbm4b:s2+s11], $0x80, s12, s11, $0xb8;
	[tilespmem:$0x15900] =	vst v63  }
0xf2: {  	s12 =	simm.s32 @!p0 $0x140;
	s13 =	simm.s32 @!p0 $0xB900  }
0xf3: {  	[tilespmem:s13], [sflag:$0x8] =	stream.indirect.gather @!p0 [hbm4b:s2+s11], $0x80, s12, s11, $0xb8;
	[tilespmem:$0x15900] =	vst v63  }
0xf4: {  	s12 =	simm.s32 @!p0 $0x180;
	s13 =	simm.s32 @!p0 $0xD900  }
0xf5: {  	[tilespmem:s13], [sflag:$0x4] =	stream.indirect.gather @!p0 [hbm4b:s2+s11], $0x80, s12, s11, $0xb8;
	[tilespmem:$0x15900] =	vst v63  }
0xf6: {  	s8 =	sadd.s32 $0x200, s8;
	s12 =	simm.s32 @!p0 $0x1C0;
	s13 =	simm.s32 @!p0 $0xF900  }
0xf7: {  	[tilespmem:s13], [sflag:$0x9] =	stream.indirect.gather @!p0 [hbm4b:s2+s11], $0x80, s12, s11, $0xb8;
	[tilespmem:$0x15900] =	vst v63  }
0xf8: {  	s16 =	simm.s32 $0x40;
	s10 =	simm.s32 @!p0 $0x0;
	s12 =	simm.s32 $0x11900  }
0xf9: {  	[tilespmem:s12], [sflag:$0x5] =	stream.indirect.gather [hbm4b:s2+s16], $0x80, s8, s16, $0xb8;
	[tilespmem:$0x15900] =	vst v63  }
0xfa: {  	s17 =	simm.s32 $0x1;
	s10 =	sadd.s32 $0x240, s10  }
0xfb: {  	[tilespmem:s3], [sflag:$0xA] =	stream.indirect.gather [hbm4b:s2+s16], $0x80, s10, s16, $0xb8;
	[tilespmem:$0x15900] =	vst v63  }
0xfc: {  	_ =	swait.ge [sflag:s17], $0x2000  }
0xfd: {  	[sflag:s17] =	ssyncset.done $0x0  }
0xfe: {  	[sflag:s17] =	ssyncadd.s32 $0xFFFFE000  }
0xff: {  	s13 =	rddreg [dreg:$0x2]  }
0x100: {  	s20 =	simm.s32 $0x6;
	s18 =	rddreg [dreg:$0x4];
	s19 =	sadd.s32 s13, s24  }
0x101: {  	[hbm4b:s19+s4] =	stream.linear.scatter [tilespmem:s18], [sflag:$0xB], $0x2000, $0x38;
	[tilespmem:$0x15900] =	vst v63  }
0x102: {  	_ =	swait.ge [sflag:s20], $0x2000  }
0x103: {  	s6 =	sadd.s32 s6, s7;
	[sflag:s20] =	ssyncset.done $0x0  }
0x104: {  	s22 =	simm.s32 $0x2;
	s21 =	rddreg [dreg:$0x5];
	[sflag:s20] =	ssyncadd.s32 $0xFFFFE000  }
0x105: {  	[hbm4b:s6+s4] =	stream.linear.scatter [tilespmem:s21], [sflag:$0xB], $0x2000, $0x38;
	[tilespmem:$0x15900] =	vst v63  }
0x106: {  	_ =	swait.ge [sflag:s22], $0x2000  }
0x107: {  	s25 =	simm.s32 $0x7;
	[sflag:s22] =	ssyncset.done $0x0  }
0x108: {  	s9 =	sadd.s32 s13, s9;
	s24 =	rddreg [dreg:$0x6];
	[sflag:s22] =	ssyncadd.s32 $0xFFFFE000  }
0x109: {  	[hbm4b:s9+s4] =	stream.linear.scatter [tilespmem:s24], [sflag:$0xC], $0x2000, $0x38;
	[tilespmem:$0x15900] =	vst v63  }
0x10a: {  	_ =	swait.ge [sflag:s25], $0x2000  }
0x10b: {  	s0 =	sadd.s32 s0, s7;
	[sflag:s25] =	ssyncset.done $0x0  }
0x10c: {  	s28 =	simm.s32 $0x3;
	s26 =	rddreg [dreg:$0x7];
	[sflag:s25] =	ssyncadd.s32 $0xFFFFE000  }
0x10d: {  	[hbm4b:s0+s4] =	stream.linear.scatter [tilespmem:s26], [sflag:$0xC], $0x2000, $0x38;
	[tilespmem:$0x15900] =	vst v63  }
0x10e: {  	_ =	swait.ge [sflag:s28], $0x2000  }
0x10f: {  	s1 =	sadd.s32 s13, s1;
	[sflag:s28] =	ssyncset.done $0x0  }
0x110: {  	s9 =	simm.s32 $0x8;
	s29 =	rddreg [dreg:$0x8];
	[sflag:s28] =	ssyncadd.s32 $0xFFFFE000  }
0x111: {  	[hbm4b:s1+s4] =	stream.linear.scatter [tilespmem:s29], [sflag:$0xD], $0x2000, $0x38;
	[tilespmem:$0x15900] =	vst v63  }
0x112: {  	_ =	swait.ge [sflag:s9], $0x2000  }
0x113: {  	s14 =	simm.s32 $0x4;
	[sflag:s9] =	ssyncset.done $0x0  }
0x114: {  	s11 =	sadd.s32 s23, s7;
	s10 =	rddreg [dreg:$0x9];
	[sflag:s9] =	ssyncadd.s32 $0xFFFFE000  }
0x115: {  	[hbm4b:s11+s4] =	stream.linear.scatter [tilespmem:s10], [sflag:$0xD], $0x2000, $0x38;
	[tilespmem:$0x15900] =	vst v63  }
0x116: {  	_ =	swait.ge [sflag:s14], $0x2000  }
0x117: {  	s17 =	simm.s32 $0x9;
	[sflag:s14] =	ssyncset.done $0x0  }
0x118: {  	s16 =	sadd.s32 s13, s31;
	s15 =	rddreg [dreg:$0xa];
	[sflag:s14] =	ssyncadd.s32 $0xFFFFE000  }
0x119: {  	[hbm4b:s16+s4] =	stream.linear.scatter [tilespmem:s15], [sflag:$0xE], $0x2000, $0x38;
	[tilespmem:$0x15900] =	vst v63  }
0x11a: {  	_ =	swait.ge [sflag:s17], $0x2000  }
0x11b: {  	s19 =	sadd.s32 s30, s7;
	[sflag:s17] =	ssyncset.done $0x0  }
0x11c: {  	s21 =	simm.s32 $0x5;
	s18 =	rddreg [dreg:$0xb];
	[sflag:s17] =	ssyncadd.s32 $0xFFFFE000  }
0x11d: {  	[hbm4b:s19+s4] =	stream.linear.scatter [tilespmem:s18], [sflag:$0xE], $0x2000, $0x38;
	[tilespmem:$0x15900] =	vst v63  }
0x11e: {  	s20 =	sadd.s32 s5, s8;
	_ =	swait.ge [sflag:s21], $0x2000  }
0x11f: {  	s0 =	sshll.u32 s20, $0x4;
	[sflag:s21] =	ssyncset.done $0x0  }
0x120: {  	s23 =	simm.s32 $0xA;
	s22 =	sadd.s32 s13, s0;
	[sflag:s21] =	ssyncadd.s32 $0xFFFFE000  }
0x121: {  	[hbm4b:s22+s4] =	stream.linear.scatter [tilespmem:s12], [sflag:$0xF], $0x2000, $0x38;
	[tilespmem:$0x15900] =	vst v63  }
0x122: {  	_ =	swait.ge [sflag:s23], $0x2000  }
0x123: {  	s0 =	sand.u32 $0x1FFFF800, s0;
	[sflag:s23] =	ssyncset.done $0x0  }
0x124: {  	s24 =	simm.s32 $0xB;
	s0 =	sadd.s32 s0, s7;
	[sflag:s23] =	ssyncadd.s32 $0xFFFFE000  }
0x125: {  	[hbm4b:s0+s4] =	stream.linear.scatter [tilespmem:s3], [sflag:$0xF], $0x2000, $0x38;
	[tilespmem:$0x15900] =	vst v63  }
0x126: {  	_ =	swait.ge [sflag:s24], $0x4000  }
0x127: {  	[sflag:s24] =	ssyncset.done $0x0  }
0x128: {  	s25 =	simm.s32 $0xC;
	[sflag:s24] =	ssyncadd.s32 $0xFFFFC000  }
0x129: {  	_ =	swait.ge [sflag:s25], $0x4000  }
0x12a: {  	[sflag:s25] =	ssyncset.done $0x0  }
0x12b: {  	s26 =	simm.s32 $0xD;
	[sflag:s25] =	ssyncadd.s32 $0xFFFFC000  }
0x12c: {  	_ =	swait.ge [sflag:s26], $0x4000  }
0x12d: {  	[sflag:s26] =	ssyncset.done $0x0  }
0x12e: {  	s28 =	simm.s32 $0xE;
	[sflag:s26] =	ssyncadd.s32 $0xFFFFC000  }
0x12f: {  	_ =	swait.ge [sflag:s28], $0x4000  }
0x130: {  	[sflag:s28] =	ssyncset.done $0x0  }
0x131: {  	s29 =	simm.s32 $0xF;
	[sflag:s28] =	ssyncadd.s32 $0xFFFFC000  }
0x132: {  	_ =	swait.ge [sflag:s29], $0x4000  }
0x133: {  	s30 =	rddreg [dreg:$0xe]  }
0x134: {  	s31 =	rddreg [dreg:$0xd];
	s3 =	sadd.s32 $0x1, s30  }
0x135: {  	p0 =	sne.s32 s3, s31  }
.Ltmp1:
0x136: {  	_ = 	snop;
	(pc) =	sbr.rel @p0 .LBB2_1-.Ltmp1, $3  }
0x137: {  	_ =	sdelay $0x1  }
0x138: {  	[sflag:s29] =	ssyncset.done $0x0  }
0x139: {  	s11 =	simm.s32 $0x13900;
	[sflag:s29] =	ssyncadd.s32 $0xFFFFC000  }
0x13a: {  	_ =	sfence.sel $0x180000  }
0x13b: {  	[bflag:$0x0] =	sbarrier.arrive $0xFFFF  }
0x13c: {  	_ =	strace $0x90000047  }
0x13d: {  	s0 =	stileid.u32;
	[bflag:$0x2] =	sbarrier.arrive $0xFFFF  }
0x13e: {  	p0 =	sne.s32 s0, $0x0;
	s0 =	rddreg [dreg:$0x3]  }
0x13f: {  	s0 =	sadd.s32 @!p0 $0x100000, s0  }
0x140: {  	[sflag:s0] =	ssyncadd.tile.s32 @!p0 $0x1;
	_ =	shalt  }
.Lfunc_end2:
_tile_overlayer_lowered:
.L_overlay_start_2:
0x141: {  	(tag) =	ssettag $0x2  }
0x142: {  	s0 =	rddreg [dreg:$0x0];
	s2 =	stileid.u32  }
0x143: {  	s1 =	rddreg [dreg:$0x1];
	p0 =	sne.s32 s2, $0x0  }
0x144: {  	s3 =	rddreg [dreg:$0x2];
	[bflag:$0x3] =	sbarrier.arrive $0xFFFF;
	s2 =	simm.s32 @!p0 $0x1C10  }
0x145: {  	[timem:s3], [sflag:s2] =	dma.local @!p0 [hbm:s0], s1  }
0x146: {  	s0 =	simm.s32 @!p0 $0x10  }
0x147: {  	_ =	swait.ge @!p0 [sflag:s0], s1  }
0x148: {  	s1 =	ssub.s32 @!p0 $0x0, s1;
	[sflag:s0] =	ssyncset.done @!p0 $0x0  }
0x149: {  	[sflag:s0] =	ssyncadd.s32 @!p0 s1  }
0x14a: {  	[bflag:$0x3] =	sbarrier.arrive $0xFFFF  }
0x14b: {  	_ =	shalt  }

</sc_bundles>
